<compile_context>
chip_gen: v7x
topology: tpu7x:2x2x1
jax: 0.10.2.dev20260603
libtpu: 0.0.44.dev20260713+nightly
codegen_flags: <defaults>
</compile_context>

<pallas_src>
import functools

import jax
import jax.numpy as jnp
from jax import lax
from jax.experimental import pallas as pl
from jax.experimental.pallas import tpu as pltpu
from jax.experimental.pallas import tpu_sc as plsc

N = 10000
D = 128
E = 320000

NC = 2
NS = 16
NW = NC * NS
CH = 128
CPW = 80
EPW = CPW * CH
E_PAD = NW * EPW
ROWS_PT = 640
N_PAD = NS * ROWS_PT
TRASH = N

_mesh = plsc.VectorSubcoreMesh(core_axis_name="c", subcore_axis_name="s")


def _deg_body(dst_hbm, zidx_hbm, out_hbm, dbuf, onesv, zrows, deg_sh):
    c = lax.axis_index("c")
    s = lax.axis_index("s")
    w = s * NC + c

    def _zrow(i, carry):
        zrows[i, :] = jnp.zeros((16,), jnp.float32)
        onesv[i, :] = jnp.ones((16,), jnp.float32)
        return carry

    lax.fori_loop(0, CH, _zrow, 0)
    for k in range(ROWS_PT // CH):
        pltpu.sync_copy(zidx_hbm.at[s * (ROWS_PT // CH) + k], dbuf)
        pltpu.sync_copy(zrows, deg_sh.at[dbuf])
    plsc.subcore_barrier()

    def _step(j, carry):
        pltpu.sync_copy(dst_hbm.at[w * CPW + j], dbuf)
        pltpu.sync_copy(onesv, deg_sh.at[dbuf], add=True)
        return carry

    lax.fori_loop(0, CPW, _step, 0)
    plsc.subcore_barrier()
    pltpu.sync_copy(deg_sh.at[pl.ds(s * ROWS_PT, ROWS_PT)],
                    out_hbm.at[pl.ds(c * N_PAD + s * ROWS_PT, ROWS_PT)])


_deg = functools.partial(
    pl.kernel,
    mesh=_mesh,
    out_type=jax.ShapeDtypeStruct((NC * N_PAD, 16), jnp.float32),
    scratch_types=[
        pltpu.VMEM((CH,), jnp.int32),
        pltpu.VMEM((CH, 16), jnp.float32),
        pltpu.VMEM((CH, 16), jnp.float32),
        pltpu.VMEM_SHARED((N_PAD, 16), jnp.float32),
    ],
)(_deg_body)


def _agg_body(tab_hbm, src_hbm, dst_hbm, zidx_hbm, out_hbm,
              s0, d0, rows0, acc_sh):
    c = lax.axis_index("c")
    s = lax.axis_index("s")
    w = s * NC + c
    base = w * CPW

    def _zrow(i, carry):
        for k in range(8):
            rows0[i, pl.ds(k * 16, 16)] = jnp.zeros((16,), jnp.float32)
        return carry

    lax.fori_loop(0, CH, _zrow, 0)
    for k in range(ROWS_PT // CH):
        pltpu.sync_copy(zidx_hbm.at[s * (ROWS_PT // CH) + k], s0)
        pltpu.sync_copy(rows0, acc_sh.at[s0])
    plsc.subcore_barrier()

    def _step(j, carry):
        pltpu.sync_copy(src_hbm.at[base + j], s0)
        pltpu.sync_copy(dst_hbm.at[base + j], d0)
        pltpu.sync_copy(tab_hbm.at[s0], rows0)
        pltpu.sync_copy(rows0, acc_sh.at[d0], add=True)
        return carry

    lax.fori_loop(0, CPW, _step, 0)
    plsc.subcore_barrier()
    pltpu.sync_copy(acc_sh.at[pl.ds(s * ROWS_PT, ROWS_PT)],
                    out_hbm.at[pl.ds(c * N_PAD + s * ROWS_PT, ROWS_PT)])


_agg = functools.partial(
    pl.kernel,
    mesh=_mesh,
    out_type=jax.ShapeDtypeStruct((NC * N_PAD, D), jnp.float32),
    scratch_types=[
        pltpu.VMEM((CH,), jnp.int32),
        pltpu.VMEM((CH,), jnp.int32),
        pltpu.VMEM((CH, D), jnp.float32),
        pltpu.VMEM_SHARED((N_PAD, D), jnp.float32),
    ],
)(_agg_body)


_RB = 1000


def _mm_body(x_ref, w_ref, o_ref):
    o_ref[...] = jnp.dot(x_ref[...], w_ref[...],
                         preferred_element_type=jnp.float32)


def _mm(x, w):
    return pl.pallas_call(
        _mm_body,
        grid=(N // _RB,),
        in_specs=[
            pl.BlockSpec((_RB, D), lambda i: (i, 0)),
            pl.BlockSpec((D, D), lambda i: (0, 0)),
        ],
        out_specs=pl.BlockSpec((_RB, D), lambda i: (i, 0)),
        out_shape=jax.ShapeDtypeStruct((N, D), jnp.float32),
    )(x, w)


def _scale_body(dp_ref, h_ref, xs_ref, dbc_ref):
    deg = dp_ref[0] + dp_ref[1]
    db = jnp.dot(deg, jnp.ones((16, D), jnp.float32),
                 preferred_element_type=jnp.float32) * (1.0 / 16.0)
    d = lax.rsqrt(db + 1.0)
    dbc_ref[...] = d
    xs_ref[...] = d * h_ref[...]


def _scale(degp, h):
    return pl.pallas_call(
        _scale_body,
        grid=(N // _RB,),
        in_specs=[
            pl.BlockSpec((NC, _RB, 16), lambda i: (0, i, 0)),
            pl.BlockSpec((_RB, D), lambda i: (i, 0)),
        ],
        out_specs=[
            pl.BlockSpec((_RB, D), lambda i: (i, 0)),
            pl.BlockSpec((_RB, D), lambda i: (i, 0)),
        ],
        out_shape=[
            jax.ShapeDtypeStruct((N, D), jnp.float32),
            jax.ShapeDtypeStruct((N, D), jnp.float32),
        ],
    )(degp, h)


def _comb_mm_body(p_ref, xs_ref, dbc_ref, b_ref, w_ref, o_ref):
    agg = p_ref[0] + p_ref[1] + xs_ref[...]
    t = jnp.maximum(dbc_ref[...] * agg + b_ref[...], 0.0)
    o_ref[...] = dbc_ref[...] * jnp.dot(t, w_ref[...],
                                        preferred_element_type=jnp.float32)


def _comb_mm(parts, xs, dbc, b, w):
    return pl.pallas_call(
        _comb_mm_body,
        grid=(N // _RB,),
        in_specs=[
            pl.BlockSpec((NC, _RB, D), lambda i: (0, i, 0)),
            pl.BlockSpec((_RB, D), lambda i: (i, 0)),
            pl.BlockSpec((_RB, D), lambda i: (i, 0)),
            pl.BlockSpec((1, D), lambda i: (0, 0)),
            pl.BlockSpec((D, D), lambda i: (0, 0)),
        ],
        out_specs=pl.BlockSpec((_RB, D), lambda i: (i, 0)),
        out_shape=jax.ShapeDtypeStruct((N, D), jnp.float32),
    )(parts, xs, dbc, b, w)


def _comb_body(p_ref, xs_ref, dbc_ref, b_ref, o_ref):
    agg = p_ref[0] + p_ref[1] + xs_ref[...]
    o_ref[...] = jnp.maximum(dbc_ref[...] * agg + b_ref[...], 0.0)


def _comb(parts, xs, dbc, b):
    return pl.pallas_call(
        _comb_body,
        grid=(N // _RB,),
        in_specs=[
            pl.BlockSpec((NC, _RB, D), lambda i: (0, i, 0)),
            pl.BlockSpec((_RB, D), lambda i: (i, 0)),
            pl.BlockSpec((_RB, D), lambda i: (i, 0)),
            pl.BlockSpec((1, D), lambda i: (0, 0)),
        ],
        out_specs=pl.BlockSpec((_RB, D), lambda i: (i, 0)),
        out_shape=jax.ShapeDtypeStruct((N, D), jnp.float32),
    )(parts, xs, dbc, b)


def kernel(x, edge_index, W1, b1, W2, b2):
    x = x.astype(jnp.float32)
    src = edge_index[0].astype(jnp.int32)
    dst = edge_index[1].astype(jnp.int32)
    pad = E_PAD - src.shape[0]
    srcp = jnp.concatenate(
        [src, jnp.zeros((pad,), jnp.int32)]).reshape(NW * CPW, CH)
    dstp = jnp.concatenate(
        [dst, jnp.full((pad,), TRASH, jnp.int32)]).reshape(NW * CPW, CH)

    zidx = jnp.arange(N_PAD, dtype=jnp.int32).reshape(N_PAD // CH, CH)
    degp = _deg(dstp, zidx).reshape(NC, N_PAD, 16)
    h1 = _mm(x, W1)
    xs1, dbc = _scale(degp, h1)
    p1 = _agg(xs1, srcp, dstp, zidx).reshape(NC, N_PAD, D)
    xs2 = _comb_mm(p1, xs1, dbc, b1.reshape(1, D), W2)
    p2 = _agg(xs2, srcp, dstp, zidx).reshape(NC, N_PAD, D)
    return _comb(p2, xs2, dbc, b2.reshape(1, D))

# --- scband reference (transcript-rebuilt; emitter-appended) ---
"""Pipeline reference for scband-gcnbackbone-48404281425954 (READ-ONLY COPY).

The authoritative reference and input builder live on the scoring server;
editing this copy changes nothing except your own understanding.
"""

import jax, jax.numpy as jnp
import numpy as np

N_NODES = 10000
D_IN = 128
D_MID = 128
N_EDGES = 320000


def _gcn_conv(x, src, dst, W, b, n):
    # GCNConv: x' = D^{-1/2} (A + I) D^{-1/2} X W + b  (self-loops already in src/dst)
    h = x @ W
    ew = jnp.ones(src.shape[0], dtype=x.dtype)
    deg = jax.ops.segment_sum(ew, dst, num_segments=n)
    deg_inv_sqrt = jnp.where(deg > 0, 1.0 / jnp.sqrt(jnp.maximum(deg, 1e-12)), 0.0)
    norm = deg_inv_sqrt[src] * ew * deg_inv_sqrt[dst]
    msg = h[src] * norm[:, None]
    out = jax.ops.segment_sum(msg, dst, num_segments=n)
    return out + b


def setup_inputs(seed: int = 0) -> dict:
    key = jax.random.key(seed)
    k1, k2, k3, k4 = jax.random.split(key, 4)
    x = jax.random.normal(k1, (N_NODES, D_IN), dtype=jnp.float32)
    edge_index = jax.random.randint(k2, (2, N_EDGES), 0, N_NODES, dtype=jnp.int64)
    # glorot-style init for GCNConv linear weights
    s1 = float(np.sqrt(6.0 / (D_IN + D_MID)))
    s2 = float(np.sqrt(6.0 / (D_MID + D_MID)))
    W1 = jax.random.uniform(k3, (D_IN, D_MID), minval=-s1, maxval=s1, dtype=jnp.float32)
    W2 = jax.random.uniform(k4, (D_MID, D_MID), minval=-s2, maxval=s2, dtype=jnp.float32)
    b1 = jnp.zeros((D_MID,), dtype=jnp.float32)
    b2 = jnp.zeros((D_MID,), dtype=jnp.float32)
    return {"x": x, "edge_index": edge_index, "W1": W1, "b1": b1, "W2": W2, "b2": b2}


def reference(x, edge_index, W1, b1, W2, b2):
    n = x.shape[0]
    loop = jnp.arange(n, dtype=edge_index.dtype)
    src = jnp.concatenate([edge_index[0], loop])
    dst = jnp.concatenate([edge_index[1], loop])
    h = _gcn_conv(x, src, dst, W1, b1, n)
    h = jax.nn.relu(h)
    h = _gcn_conv(h, src, dst, W2, b2, n)
    return jax.nn.relu(h)

if __name__ == "__main__":
    import jax
    _d = setup_inputs()
    print(jax.jit(kernel)(*tuple(_d.values())))

</pallas_src>

<mosaic_0001>
#map = affine_map<(d0, d1) -> (0, 0)>
module attributes {stable_mosaic.version = 14 : i64} {
  func.func @_agg_body(%arg0: i32, %arg1: i32, %arg2: memref<10000x128xf32, #tpu.memory_space<hbm>>, %arg3: memref<2560x128xi32, #tpu.memory_space<hbm>>, %arg4: memref<2560x128xi32, #tpu.memory_space<hbm>>, %arg5: memref<80x128xi32, #tpu.memory_space<hbm>>, %arg6: memref<20480x128xf32, #tpu.memory_space<hbm>>, %arg7: memref<128xi32, #tpu.memory_space<vmem>>, %arg8: memref<128xi32, #tpu.memory_space<vmem>>, %arg9: memref<128x128xf32, #tpu.memory_space<vmem>>, %arg10: memref<10240x128xf32, #tpu.memory_space<vmem_shared>>) attributes {dimension_semantics = [#tpu.dimension_semantics<core_parallel>, #tpu.dimension_semantics<subcore_parallel>], iteration_bounds = array<i64: 2, 16>, scalar_prefetch = 0 : i64, scratch_operands = 4 : i64, tpu.core_type = #tpu.core_type<sc_vector_subcore>, window_params = [{transform_indices = #map}, {transform_indices = #map}, {transform_indices = #map}, {transform_indices = #map}, {transform_indices = #map}]} {
    %mul3A = arith.constant 2 : i32
    %mul3A_0 = arith.muli %arg1, %mul3A : i32
    %add3A = arith.addi %mul3A_0, %arg0 : i32
    %mul3A_1 = arith.constant 80 : i32
    %mul3A_2 = arith.muli %add3A, %mul3A_1 : i32
    %scan3A = arith.constant 0 : i32
    %scan3A_3 = arith.constant 0 : i32
    %scan3A_4 = arith.constant 128 : i32
    %scan3A_5 = arith.addi %scan3A_3, %scan3A_4 : i32
    %scan3A_6 = arith.constant 1 : i32
    scf.for %scan3A_42 = %scan3A_3 to %scan3A_5 step %scan3A_6  : i32 {
      %broadcast_in_dim3A = arith.constant 0.000000e+00 : f32
      %broadcast_in_dim3A_43 = vector.broadcast %broadcast_in_dim3A : f32 to vector<16xf32>
      %swap3A = arith.index_cast %scan3A_42 : i32 to index
      %swap3A_44 = arith.constant 0 : index
      %swap3A_45 = tpu.vector_load %arg9[%swap3A, %swap3A_44] {strides = array<i32>} : memref<128x128xf32, #tpu.memory_space<vmem>>, vector<1x16xf32>,
      %swap3A_46 = vector.shape_cast %swap3A_45 : vector<1x16xf32> to vector<16xf32>
      %swap3A_47 = vector.shape_cast %broadcast_in_dim3A_43 : vector<16xf32> to vector<1x16xf32>
      tpu.vector_store %arg9[%swap3A, %swap3A_44], %swap3A_47 {strides = array<i32>} : memref<128x128xf32, #tpu.memory_space<vmem>>, vector<1x16xf32>,
      %broadcast_in_dim3A_48 = arith.constant 0.000000e+00 : f32
      %broadcast_in_dim3A_49 = vector.broadcast %broadcast_in_dim3A_48 : f32 to vector<16xf32>
      %swap3A_50 = arith.index_cast %scan3A_42 : i32 to index
      %swap3A_51 = arith.constant 16 : index
      %swap3A_52 = tpu.vector_load %arg9[%swap3A_50, %swap3A_51] {strides = array<i32>} : memref<128x128xf32, #tpu.memory_space<vmem>>, vector<1x16xf32>,
      %swap3A_53 = vector.shape_cast %swap3A_52 : vector<1x16xf32> to vector<16xf32>
      %swap3A_54 = vector.shape_cast %broadcast_in_dim3A_49 : vector<16xf32> to vector<1x16xf32>
      tpu.vector_store %arg9[%swap3A_50, %swap3A_51], %swap3A_54 {strides = array<i32>} : memref<128x128xf32, #tpu.memory_space<vmem>>, vector<1x16xf32>,
      %broadcast_in_dim3A_55 = arith.constant 0.000000e+00 : f32
      %broadcast_in_dim3A_56 = vector.broadcast %broadcast_in_dim3A_55 : f32 to vector<16xf32>
      %swap3A_57 = arith.index_cast %scan3A_42 : i32 to index
      %swap3A_58 = arith.constant 32 : index
      %swap3A_59 = tpu.vector_load %arg9[%swap3A_57, %swap3A_58] {strides = array<i32>} : memref<128x128xf32, #tpu.memory_space<vmem>>, vector<1x16xf32>,
      %swap3A_60 = vector.shape_cast %swap3A_59 : vector<1x16xf32> to vector<16xf32>
      %swap3A_61 = vector.shape_cast %broadcast_in_dim3A_56 : vector<16xf32> to vector<1x16xf32>
      tpu.vector_store %arg9[%swap3A_57, %swap3A_58], %swap3A_61 {strides = array<i32>} : memref<128x128xf32, #tpu.memory_space<vmem>>, vector<1x16xf32>,
      %broadcast_in_dim3A_62 = arith.constant 0.000000e+00 : f32
      %broadcast_in_dim3A_63 = vector.broadcast %broadcast_in_dim3A_62 : f32 to vector<16xf32>
      %swap3A_64 = arith.index_cast %scan3A_42 : i32 to index
      %swap3A_65 = arith.constant 48 : index
      %swap3A_66 = tpu.vector_load %arg9[%swap3A_64, %swap3A_65] {strides = array<i32>} : memref<128x128xf32, #tpu.memory_space<vmem>>, vector<1x16xf32>,
      %swap3A_67 = vector.shape_cast %swap3A_66 : vector<1x16xf32> to vector<16xf32>
      %swap3A_68 = vector.shape_cast %broadcast_in_dim3A_63 : vector<16xf32> to vector<1x16xf32>
      tpu.vector_store %arg9[%swap3A_64, %swap3A_65], %swap3A_68 {strides = array<i32>} : memref<128x128xf32, #tpu.memory_space<vmem>>, vector<1x16xf32>,
      %broadcast_in_dim3A_69 = arith.constant 0.000000e+00 : f32
      %broadcast_in_dim3A_70 = vector.broadcast %broadcast_in_dim3A_69 : f32 to vector<16xf32>
      %swap3A_71 = arith.index_cast %scan3A_42 : i32 to index
      %swap3A_72 = arith.constant 64 : index
      %swap3A_73 = tpu.vector_load %arg9[%swap3A_71, %swap3A_72] {strides = array<i32>} : memref<128x128xf32, #tpu.memory_space<vmem>>, vector<1x16xf32>,
      %swap3A_74 = vector.shape_cast %swap3A_73 : vector<1x16xf32> to vector<16xf32>
      %swap3A_75 = vector.shape_cast %broadcast_in_dim3A_70 : vector<16xf32> to vector<1x16xf32>
      tpu.vector_store %arg9[%swap3A_71, %swap3A_72], %swap3A_75 {strides = array<i32>} : memref<128x128xf32, #tpu.memory_space<vmem>>, vector<1x16xf32>,
      %broadcast_in_dim3A_76 = arith.constant 0.000000e+00 : f32
      %broadcast_in_dim3A_77 = vector.broadcast %broadcast_in_dim3A_76 : f32 to vector<16xf32>
      %swap3A_78 = arith.index_cast %scan3A_42 : i32 to index
      %swap3A_79 = arith.constant 80 : index
      %swap3A_80 = tpu.vector_load %arg9[%swap3A_78, %swap3A_79] {strides = array<i32>} : memref<128x128xf32, #tpu.memory_space<vmem>>, vector<1x16xf32>,
      %swap3A_81 = vector.shape_cast %swap3A_80 : vector<1x16xf32> to vector<16xf32>
      %swap3A_82 = vector.shape_cast %broadcast_in_dim3A_77 : vector<16xf32> to vector<1x16xf32>
      tpu.vector_store %arg9[%swap3A_78, %swap3A_79], %swap3A_82 {strides = array<i32>} : memref<128x128xf32, #tpu.memory_space<vmem>>, vector<1x16xf32>,
      %broadcast_in_dim3A_83 = arith.constant 0.000000e+00 : f32
      %broadcast_in_dim3A_84 = vector.broadcast %broadcast_in_dim3A_83 : f32 to vector<16xf32>
      %swap3A_85 = arith.index_cast %scan3A_42 : i32 to index
      %swap3A_86 = arith.constant 96 : index
      %swap3A_87 = tpu.vector_load %arg9[%swap3A_85, %swap3A_86] {strides = array<i32>} : memref<128x128xf32, #tpu.memory_space<vmem>>, vector<1x16xf32>,
      %swap3A_88 = vector.shape_cast %swap3A_87 : vector<1x16xf32> to vector<16xf32>
      %swap3A_89 = vector.shape_cast %broadcast_in_dim3A_84 : vector<16xf32> to vector<1x16xf32>
      tpu.vector_store %arg9[%swap3A_85, %swap3A_86], %swap3A_89 {strides = array<i32>} : memref<128x128xf32, #tpu.memory_space<vmem>>, vector<1x16xf32>,
      %broadcast_in_dim3A_90 = arith.constant 0.000000e+00 : f32
      %broadcast_in_dim3A_91 = vector.broadcast %broadcast_in_dim3A_90 : f32 to vector<16xf32>
      %swap3A_92 = arith.index_cast %scan3A_42 : i32 to index
      %swap3A_93 = arith.constant 112 : index
      %swap3A_94 = tpu.vector_load %arg9[%swap3A_92, %swap3A_93] {strides = array<i32>} : memref<128x128xf32, #tpu.memory_space<vmem>>, vector<1x16xf32>,
      %swap3A_95 = vector.shape_cast %swap3A_94 : vector<1x16xf32> to vector<16xf32>
      %swap3A_96 = vector.shape_cast %broadcast_in_dim3A_91 : vector<16xf32> to vector<1x16xf32>
      tpu.vector_store %arg9[%swap3A_92, %swap3A_93], %swap3A_96 {strides = array<i32>} : memref<128x128xf32, #tpu.memory_space<vmem>>, vector<1x16xf32>,
    }
    %scan3A_7 = arith.constant 128 : i32
    %mul3A_8 = arith.constant 5 : i32
    %mul3A_9 = arith.muli %arg1, %mul3A_8 : i32
    %add3A_10 = arith.constant 0 : i32
    %add3A_11 = arith.addi %mul3A_9, %add3A_10 : i32
    "tpu.region"() ({
      %run_scoped3A = tpu.sem_alloc : memref<!tpu.dma_semaphore, #tpu.memory_space<semaphore_mem>>
      %dma_start3A = arith.constant 0 : i32
      %dma_start3A_42 = tpu.memref_slice %arg5[%add3A_11, %dma_start3A] : memref<80x128xi32, #tpu.memory_space<hbm>> -> memref<1x128xi32, #tpu.memory_space<hbm>>
      %dma_start3A_43 = tpu.memref_squeeze %dma_start3A_42 : memref<1x128xi32, #tpu.memory_space<hbm>> -> memref<128xi32, #tpu.memory_space<hbm>>
      %dma_start3A_44 = arith.constant 0 : i32
      %dma_start3A_45 = tpu.memref_slice %arg5[%add3A_11, %dma_start3A_44] : memref<80x128xi32, #tpu.memory_space<hbm>> -> memref<1x128xi32, #tpu.memory_space<hbm>>
      %dma_start3A_46 = tpu.memref_squeeze %dma_start3A_45 : memref<1x128xi32, #tpu.memory_space<hbm>> -> memref<128xi32, #tpu.memory_space<hbm>>
      tpu.enqueue_dma source(%dma_start3A_46 : memref<128xi32, #tpu.memory_space<hbm>>) target(%arg7 : memref<128xi32, #tpu.memory_space<vmem>>) target_semaphore(%run_scoped3A : memref<!tpu.dma_semaphore, #tpu.memory_space<semaphore_mem>>)
      %dma_wait3A = arith.constant 0 : i32
      %dma_wait3A_47 = tpu.memref_slice %arg5[%add3A_11, %dma_wait3A] : memref<80x128xi32, #tpu.memory_space<hbm>> -> memref<1x128xi32, #tpu.memory_space<hbm>>
      %dma_wait3A_48 = tpu.memref_squeeze %dma_wait3A_47 : memref<1x128xi32, #tpu.memory_space<hbm>> -> memref<128xi32, #tpu.memory_space<hbm>>
      %dma_wait3A_49 = arith.constant 0 : i32
      %dma_wait3A_50 = tpu.memref_slice %arg5[%add3A_11, %dma_wait3A_49] : memref<80x128xi32, #tpu.memory_space<hbm>> -> memref<1x128xi32, #tpu.memory_space<hbm>>
      %dma_wait3A_51 = tpu.memref_squeeze %dma_wait3A_50 : memref<1x128xi32, #tpu.memory_space<hbm>> -> memref<128xi32, #tpu.memory_space<hbm>>
      tpu.wait_dma2 semaphore(%run_scoped3A : memref<!tpu.dma_semaphore, #tpu.memory_space<semaphore_mem>>) src(%dma_wait3A_51 : memref<128xi32, #tpu.memory_space<hbm>>) dst(%arg7 : memref<128xi32, #tpu.memory_space<vmem>>)
      tpu.yield
    }) : () -> ()
    "tpu.region"() ({
      %run_scoped3A = tpu.sem_alloc : memref<!tpu.dma_semaphore, #tpu.memory_space<semaphore_mem>>
      %dma_start3A = arith.constant 0 : i32
      %dma_start3A_42 = arith.constant 0 : i32
      %dma_start3A_43 = tpu.memref_slice %arg10[%dma_start3A, %dma_start3A_42] : memref<10240x128xf32, #tpu.memory_space<vmem_shared>> -> memref<10240x128xf32, #tpu.memory_space<vmem_shared>>
      tpu.enqueue_indirect_dma source(%arg9 : memref<128x128xf32, #tpu.memory_space<vmem>>) target(%dma_start3A_43 : memref<10240x128xf32, #tpu.memory_space<vmem_shared>>) offsets(%arg7 : memref<128xi32, #tpu.memory_space<vmem>>) semaphore(%run_scoped3A : memref<!tpu.dma_semaphore, #tpu.memory_space<semaphore_mem>>)
      %dma_wait3A = arith.constant 0 : i32
      %dma_wait3A_44 = arith.constant 0 : i32
      %dma_wait3A_45 = tpu.memref_slice %arg10[%dma_wait3A, %dma_wait3A_44] : memref<10240x128xf32, #tpu.memory_space<vmem_shared>> -> memref<10240x128xf32, #tpu.memory_space<vmem_shared>>
      tpu.wait_indirect_dma semaphore(%run_scoped3A : memref<!tpu.dma_semaphore, #tpu.memory_space<semaphore_mem>>) src(%arg9 : memref<128x128xf32, #tpu.memory_space<vmem>>) dst(%dma_wait3A_45 : memref<10240x128xf32, #tpu.memory_space<vmem_shared>>)
      tpu.yield
    }) : () -> ()
    %mul3A_12 = arith.constant 5 : i32
    %mul3A_13 = arith.muli %arg1, %mul3A_12 : i32
    %add3A_14 = arith.constant 1 : i32
    %add3A_15 = arith.addi %mul3A_13, %add3A_14 : i32
    "tpu.region"() ({
      %run_scoped3A = tpu.sem_alloc : memref<!tpu.dma_semaphore, #tpu.memory_space<semaphore_mem>>
      %dma_start3A = arith.constant 0 : i32
      %dma_start3A_42 = tpu.memref_slice %arg5[%add3A_15, %dma_start3A] : memref<80x128xi32, #tpu.memory_space<hbm>> -> memref<1x128xi32, #tpu.memory_space<hbm>>
      %dma_start3A_43 = tpu.memref_squeeze %dma_start3A_42 : memref<1x128xi32, #tpu.memory_space<hbm>> -> memref<128xi32, #tpu.memory_space<hbm>>
      %dma_start3A_44 = arith.constant 0 : i32
      %dma_start3A_45 = tpu.memref_slice %arg5[%add3A_15, %dma_start3A_44] : memref<80x128xi32, #tpu.memory_space<hbm>> -> memref<1x128xi32, #tpu.memory_space<hbm>>
      %dma_start3A_46 = tpu.memref_squeeze %dma_start3A_45 : memref<1x128xi32, #tpu.memory_space<hbm>> -> memref<128xi32, #tpu.memory_space<hbm>>
      tpu.enqueue_dma source(%dma_start3A_46 : memref<128xi32, #tpu.memory_space<hbm>>) target(%arg7 : memref<128xi32, #tpu.memory_space<vmem>>) target_semaphore(%run_scoped3A : memref<!tpu.dma_semaphore, #tpu.memory_space<semaphore_mem>>)
      %dma_wait3A = arith.constant 0 : i32
      %dma_wait3A_47 = tpu.memref_slice %arg5[%add3A_15, %dma_wait3A] : memref<80x128xi32, #tpu.memory_space<hbm>> -> memref<1x128xi32, #tpu.memory_space<hbm>>
      %dma_wait3A_48 = tpu.memref_squeeze %dma_wait3A_47 : memref<1x128xi32, #tpu.memory_space<hbm>> -> memref<128xi32, #tpu.memory_space<hbm>>
      %dma_wait3A_49 = arith.constant 0 : i32
      %dma_wait3A_50 = tpu.memref_slice %arg5[%add3A_15, %dma_wait3A_49] : memref<80x128xi32, #tpu.memory_space<hbm>> -> memref<1x128xi32, #tpu.memory_space<hbm>>
      %dma_wait3A_51 = tpu.memref_squeeze %dma_wait3A_50 : memref<1x128xi32, #tpu.memory_space<hbm>> -> memref<128xi32, #tpu.memory_space<hbm>>
      tpu.wait_dma2 semaphore(%run_scoped3A : memref<!tpu.dma_semaphore, #tpu.memory_space<semaphore_mem>>) src(%dma_wait3A_51 : memref<128xi32, #tpu.memory_space<hbm>>) dst(%arg7 : memref<128xi32, #tpu.memory_space<vmem>>)
      tpu.yield
    }) : () -> ()
    "tpu.region"() ({
      %run_scoped3A = tpu.sem_alloc : memref<!tpu.dma_semaphore, #tpu.memory_space<semaphore_mem>>
      %dma_start3A = arith.constant 0 : i32
      %dma_start3A_42 = arith.constant 0 : i32
      %dma_start3A_43 = tpu.memref_slice %arg10[%dma_start3A, %dma_start3A_42] : memref<10240x128xf32, #tpu.memory_space<vmem_shared>> -> memref<10240x128xf32, #tpu.memory_space<vmem_shared>>
      tpu.enqueue_indirect_dma source(%arg9 : memref<128x128xf32, #tpu.memory_space<vmem>>) target(%dma_start3A_43 : memref<10240x128xf32, #tpu.memory_space<vmem_shared>>) offsets(%arg7 : memref<128xi32, #tpu.memory_space<vmem>>) semaphore(%run_scoped3A : memref<!tpu.dma_semaphore, #tpu.memory_space<semaphore_mem>>)
      %dma_wait3A = arith.constant 0 : i32
      %dma_wait3A_44 = arith.constant 0 : i32
      %dma_wait3A_45 = tpu.memref_slice %arg10[%dma_wait3A, %dma_wait3A_44] : memref<10240x128xf32, #tpu.memory_space<vmem_shared>> -> memref<10240x128xf32, #tpu.memory_space<vmem_shared>>
      tpu.wait_indirect_dma semaphore(%run_scoped3A : memref<!tpu.dma_semaphore, #tpu.memory_space<semaphore_mem>>) src(%arg9 : memref<128x128xf32, #tpu.memory_space<vmem>>) dst(%dma_wait3A_45 : memref<10240x128xf32, #tpu.memory_space<vmem_shared>>)
      tpu.yield
    }) : () -> ()
    %mul3A_16 = arith.constant 5 : i32
    %mul3A_17 = arith.muli %arg1, %mul3A_16 : i32
    %add3A_18 = arith.constant 2 : i32
    %add3A_19 = arith.addi %mul3A_17, %add3A_18 : i32
    "tpu.region"() ({
      %run_scoped3A = tpu.sem_alloc : memref<!tpu.dma_semaphore, #tpu.memory_space<semaphore_mem>>
      %dma_start3A = arith.constant 0 : i32
      %dma_start3A_42 = tpu.memref_slice %arg5[%add3A_19, %dma_start3A] : memref<80x128xi32, #tpu.memory_space<hbm>> -> memref<1x128xi32, #tpu.memory_space<hbm>>
      %dma_start3A_43 = tpu.memref_squeeze %dma_start3A_42 : memref<1x128xi32, #tpu.memory_space<hbm>> -> memref<128xi32, #tpu.memory_space<hbm>>
      %dma_start3A_44 = arith.constant 0 : i32
      %dma_start3A_45 = tpu.memref_slice %arg5[%add3A_19, %dma_start3A_44] : memref<80x128xi32, #tpu.memory_space<hbm>> -> memref<1x128xi32, #tpu.memory_space<hbm>>
      %dma_start3A_46 = tpu.memref_squeeze %dma_start3A_45 : memref<1x128xi32, #tpu.memory_space<hbm>> -> memref<128xi32, #tpu.memory_space<hbm>>
      tpu.enqueue_dma source(%dma_start3A_46 : memref<128xi32, #tpu.memory_space<hbm>>) target(%arg7 : memref<128xi32, #tpu.memory_space<vmem>>) target_semaphore(%run_scoped3A : memref<!tpu.dma_semaphore, #tpu.memory_space<semaphore_mem>>)
      %dma_wait3A = arith.constant 0 : i32
      %dma_wait3A_47 = tpu.memref_slice %arg5[%add3A_19, %dma_wait3A] : memref<80x128xi32, #tpu.memory_space<hbm>> -> memref<1x128xi32, #tpu.memory_space<hbm>>
      %dma_wait3A_48 = tpu.memref_squeeze %dma_wait3A_47 : memref<1x128xi32, #tpu.memory_space<hbm>> -> memref<128xi32, #tpu.memory_space<hbm>>
      %dma_wait3A_49 = arith.constant 0 : i32
      %dma_wait3A_50 = tpu.memref_slice %arg5[%add3A_19, %dma_wait3A_49] : memref<80x128xi32, #tpu.memory_space<hbm>> -> memref<1x128xi32, #tpu.memory_space<hbm>>
      %dma_wait3A_51 = tpu.memref_squeeze %dma_wait3A_50 : memref<1x128xi32, #tpu.memory_space<hbm>> -> memref<128xi32, #tpu.memory_space<hbm>>
      tpu.wait_dma2 semaphore(%run_scoped3A : memref<!tpu.dma_semaphore, #tpu.memory_space<semaphore_mem>>) src(%dma_wait3A_51 : memref<128xi32, #tpu.memory_space<hbm>>) dst(%arg7 : memref<128xi32, #tpu.memory_space<vmem>>)
      tpu.yield
    }) : () -> ()
    "tpu.region"() ({
      %run_scoped3A = tpu.sem_alloc : memref<!tpu.dma_semaphore, #tpu.memory_space<semaphore_mem>>
      %dma_start3A = arith.constant 0 : i32
      %dma_start3A_42 = arith.constant 0 : i32
      %dma_start3A_43 = tpu.memref_slice %arg10[%dma_start3A, %dma_start3A_42] : memref<10240x128xf32, #tpu.memory_space<vmem_shared>> -> memref<10240x128xf32, #tpu.memory_space<vmem_shared>>
      tpu.enqueue_indirect_dma source(%arg9 : memref<128x128xf32, #tpu.memory_space<vmem>>) target(%dma_start3A_43 : memref<10240x128xf32, #tpu.memory_space<vmem_shared>>) offsets(%arg7 : memref<128xi32, #tpu.memory_space<vmem>>) semaphore(%run_scoped3A : memref<!tpu.dma_semaphore, #tpu.memory_space<semaphore_mem>>)
      %dma_wait3A = arith.constant 0 : i32
      %dma_wait3A_44 = arith.constant 0 : i32
      %dma_wait3A_45 = tpu.memref_slice %arg10[%dma_wait3A, %dma_wait3A_44] : memref<10240x128xf32, #tpu.memory_space<vmem_shared>> -> memref<10240x128xf32, #tpu.memory_space<vmem_shared>>
      tpu.wait_indirect_dma semaphore(%run_scoped3A : memref<!tpu.dma_semaphore, #tpu.memory_space<semaphore_mem>>) src(%arg9 : memref<128x128xf32, #tpu.memory_space<vmem>>) dst(%dma_wait3A_45 : memref<10240x128xf32, #tpu.memory_space<vmem_shared>>)
      tpu.yield
    }) : () -> ()
    %mul3A_20 = arith.constant 5 : i32
    %mul3A_21 = arith.muli %arg1, %mul3A_20 : i32
    %add3A_22 = arith.constant 3 : i32
    %add3A_23 = arith.addi %mul3A_21, %add3A_22 : i32
    "tpu.region"() ({
      %run_scoped3A = tpu.sem_alloc : memref<!tpu.dma_semaphore, #tpu.memory_space<semaphore_mem>>
      %dma_start3A = arith.constant 0 : i32
      %dma_start3A_42 = tpu.memref_slice %arg5[%add3A_23, %dma_start3A] : memref<80x128xi32, #tpu.memory_space<hbm>> -> memref<1x128xi32, #tpu.memory_space<hbm>>
      %dma_start3A_43 = tpu.memref_squeeze %dma_start3A_42 : memref<1x128xi32, #tpu.memory_space<hbm>> -> memref<128xi32, #tpu.memory_space<hbm>>
      %dma_start3A_44 = arith.constant 0 : i32
      %dma_start3A_45 = tpu.memref_slice %arg5[%add3A_23, %dma_start3A_44] : memref<80x128xi32, #tpu.memory_space<hbm>> -> memref<1x128xi32, #tpu.memory_space<hbm>>
      %dma_start3A_46 = tpu.memref_squeeze %dma_start3A_45 : memref<1x128xi32, #tpu.memory_space<hbm>> -> memref<128xi32, #tpu.memory_space<hbm>>
      tpu.enqueue_dma source(%dma_start3A_46 : memref<128xi32, #tpu.memory_space<hbm>>) target(%arg7 : memref<128xi32, #tpu.memory_space<vmem>>) target_semaphore(%run_scoped3A : memref<!tpu.dma_semaphore, #tpu.memory_space<semaphore_mem>>)
      %dma_wait3A = arith.constant 0 : i32
      %dma_wait3A_47 = tpu.memref_slice %arg5[%add3A_23, %dma_wait3A] : memref<80x128xi32, #tpu.memory_space<hbm>> -> memref<1x128xi32, #tpu.memory_space<hbm>>
      %dma_wait3A_48 = tpu.memref_squeeze %dma_wait3A_47 : memref<1x128xi32, #tpu.memory_space<hbm>> -> memref<128xi32, #tpu.memory_space<hbm>>
      %dma_wait3A_49 = arith.constant 0 : i32
      %dma_wait3A_50 = tpu.memref_slice %arg5[%add3A_23, %dma_wait3A_49] : memref<80x128xi32, #tpu.memory_space<hbm>> -> memref<1x128xi32, #tpu.memory_space<hbm>>
      %dma_wait3A_51 = tpu.memref_squeeze %dma_wait3A_50 : memref<1x128xi32, #tpu.memory_space<hbm>> -> memref<128xi32, #tpu.memory_space<hbm>>
      tpu.wait_dma2 semaphore(%run_scoped3A : memref<!tpu.dma_semaphore, #tpu.memory_space<semaphore_mem>>) src(%dma_wait3A_51 : memref<128xi32, #tpu.memory_space<hbm>>) dst(%arg7 : memref<128xi32, #tpu.memory_space<vmem>>)
      tpu.yield
    }) : () -> ()
    "tpu.region"() ({
      %run_scoped3A = tpu.sem_alloc : memref<!tpu.dma_semaphore, #tpu.memory_space<semaphore_mem>>
      %dma_start3A = arith.constant 0 : i32
      %dma_start3A_42 = arith.constant 0 : i32
      %dma_start3A_43 = tpu.memref_slice %arg10[%dma_start3A, %dma_start3A_42] : memref<10240x128xf32, #tpu.memory_space<vmem_shared>> -> memref<10240x128xf32, #tpu.memory_space<vmem_shared>>
      tpu.enqueue_indirect_dma source(%arg9 : memref<128x128xf32, #tpu.memory_space<vmem>>) target(%dma_start3A_43 : memref<10240x128xf32, #tpu.memory_space<vmem_shared>>) offsets(%arg7 : memref<128xi32, #tpu.memory_space<vmem>>) semaphore(%run_scoped3A : memref<!tpu.dma_semaphore, #tpu.memory_space<semaphore_mem>>)
      %dma_wait3A = arith.constant 0 : i32
      %dma_wait3A_44 = arith.constant 0 : i32
      %dma_wait3A_45 = tpu.memref_slice %arg10[%dma_wait3A, %dma_wait3A_44] : memref<10240x128xf32, #tpu.memory_space<vmem_shared>> -> memref<10240x128xf32, #tpu.memory_space<vmem_shared>>
      tpu.wait_indirect_dma semaphore(%run_scoped3A : memref<!tpu.dma_semaphore, #tpu.memory_space<semaphore_mem>>) src(%arg9 : memref<128x128xf32, #tpu.memory_space<vmem>>) dst(%dma_wait3A_45 : memref<10240x128xf32, #tpu.memory_space<vmem_shared>>)
      tpu.yield
    }) : () -> ()
    %mul3A_24 = arith.constant 5 : i32
    %mul3A_25 = arith.muli %arg1, %mul3A_24 : i32
    %add3A_26 = arith.constant 4 : i32
    %add3A_27 = arith.addi %mul3A_25, %add3A_26 : i32
    "tpu.region"() ({
      %run_scoped3A = tpu.sem_alloc : memref<!tpu.dma_semaphore, #tpu.memory_space<semaphore_mem>>
      %dma_start3A = arith.constant 0 : i32
      %dma_start3A_42 = tpu.memref_slice %arg5[%add3A_27, %dma_start3A] : memref<80x128xi32, #tpu.memory_space<hbm>> -> memref<1x128xi32, #tpu.memory_space<hbm>>
      %dma_start3A_43 = tpu.memref_squeeze %dma_start3A_42 : memref<1x128xi32, #tpu.memory_space<hbm>> -> memref<128xi32, #tpu.memory_space<hbm>>
      %dma_start3A_44 = arith.constant 0 : i32
      %dma_start3A_45 = tpu.memref_slice %arg5[%add3A_27, %dma_start3A_44] : memref<80x128xi32, #tpu.memory_space<hbm>> -> memref<1x128xi32, #tpu.memory_space<hbm>>
      %dma_start3A_46 = tpu.memref_squeeze %dma_start3A_45 : memref<1x128xi32, #tpu.memory_space<hbm>> -> memref<128xi32, #tpu.memory_space<hbm>>
      tpu.enqueue_dma source(%dma_start3A_46 : memref<128xi32, #tpu.memory_space<hbm>>) target(%arg7 : memref<128xi32, #tpu.memory_space<vmem>>) target_semaphore(%run_scoped3A : memref<!tpu.dma_semaphore, #tpu.memory_space<semaphore_mem>>)
      %dma_wait3A = arith.constant 0 : i32
      %dma_wait3A_47 = tpu.memref_slice %arg5[%add3A_27, %dma_wait3A] : memref<80x128xi32, #tpu.memory_space<hbm>> -> memref<1x128xi32, #tpu.memory_space<hbm>>
      %dma_wait3A_48 = tpu.memref_squeeze %dma_wait3A_47 : memref<1x128xi32, #tpu.memory_space<hbm>> -> memref<128xi32, #tpu.memory_space<hbm>>
      %dma_wait3A_49 = arith.constant 0 : i32
      %dma_wait3A_50 = tpu.memref_slice %arg5[%add3A_27, %dma_wait3A_49] : memref<80x128xi32, #tpu.memory_space<hbm>> -> memref<1x128xi32, #tpu.memory_space<hbm>>
      %dma_wait3A_51 = tpu.memref_squeeze %dma_wait3A_50 : memref<1x128xi32, #tpu.memory_space<hbm>> -> memref<128xi32, #tpu.memory_space<hbm>>
      tpu.wait_dma2 semaphore(%run_scoped3A : memref<!tpu.dma_semaphore, #tpu.memory_space<semaphore_mem>>) src(%dma_wait3A_51 : memref<128xi32, #tpu.memory_space<hbm>>) dst(%arg7 : memref<128xi32, #tpu.memory_space<vmem>>)
      tpu.yield
    }) : () -> ()
    "tpu.region"() ({
      %run_scoped3A = tpu.sem_alloc : memref<!tpu.dma_semaphore, #tpu.memory_space<semaphore_mem>>
      %dma_start3A = arith.constant 0 : i32
      %dma_start3A_42 = arith.constant 0 : i32
      %dma_start3A_43 = tpu.memref_slice %arg10[%dma_start3A, %dma_start3A_42] : memref<10240x128xf32, #tpu.memory_space<vmem_shared>> -> memref<10240x128xf32, #tpu.memory_space<vmem_shared>>
      tpu.enqueue_indirect_dma source(%arg9 : memref<128x128xf32, #tpu.memory_space<vmem>>) target(%dma_start3A_43 : memref<10240x128xf32, #tpu.memory_space<vmem_shared>>) offsets(%arg7 : memref<128xi32, #tpu.memory_space<vmem>>) semaphore(%run_scoped3A : memref<!tpu.dma_semaphore, #tpu.memory_space<semaphore_mem>>)
      %dma_wait3A = arith.constant 0 : i32
      %dma_wait3A_44 = arith.constant 0 : i32
      %dma_wait3A_45 = tpu.memref_slice %arg10[%dma_wait3A, %dma_wait3A_44] : memref<10240x128xf32, #tpu.memory_space<vmem_shared>> -> memref<10240x128xf32, #tpu.memory_space<vmem_shared>>
      tpu.wait_indirect_dma semaphore(%run_scoped3A : memref<!tpu.dma_semaphore, #tpu.memory_space<semaphore_mem>>) src(%arg9 : memref<128x128xf32, #tpu.memory_space<vmem>>) dst(%dma_wait3A_45 : memref<10240x128xf32, #tpu.memory_space<vmem_shared>>)
      tpu.yield
    }) : () -> ()
    %barrier3A = arith.constant 0 : index
    tpu.barrier barrier_id(%barrier3A)
    %scan3A_28 = arith.constant 0 : i32
    %scan3A_29 = arith.constant 0 : i32
    %scan3A_30 = arith.constant 80 : i32
    %scan3A_31 = arith.addi %scan3A_29, %scan3A_30 : i32
    %scan3A_32 = arith.constant 1 : i32
    scf.for %scan3A_42 = %scan3A_29 to %scan3A_31 step %scan3A_32  : i32 {
      %add3A_43 = arith.addi %mul3A_2, %scan3A_42 : i32
      "tpu.region"() ({
        %run_scoped3A = tpu.sem_alloc : memref<!tpu.dma_semaphore, #tpu.memory_space<semaphore_mem>>
        %dma_start3A = arith.constant 0 : i32
        %dma_start3A_45 = tpu.memref_slice %arg3[%add3A_43, %dma_start3A] : memref<2560x128xi32, #tpu.memory_space<hbm>> -> memref<1x128xi32, #tpu.memory_space<hbm>>
        %dma_start3A_46 = tpu.memref_squeeze %dma_start3A_45 : memref<1x128xi32, #tpu.memory_space<hbm>> -> memref<128xi32, #tpu.memory_space<hbm>>
        %dma_start3A_47 = arith.constant 0 : i32
        %dma_start3A_48 = tpu.memref_slice %arg3[%add3A_43, %dma_start3A_47] : memref<2560x128xi32, #tpu.memory_space<hbm>> -> memref<1x128xi32, #tpu.memory_space<hbm>>
        %dma_start3A_49 = tpu.memref_squeeze %dma_start3A_48 : memref<1x128xi32, #tpu.memory_space<hbm>> -> memref<128xi32, #tpu.memory_space<hbm>>
        tpu.enqueue_dma source(%dma_start3A_49 : memref<128xi32, #tpu.memory_space<hbm>>) target(%arg7 : memref<128xi32, #tpu.memory_space<vmem>>) target_semaphore(%run_scoped3A : memref<!tpu.dma_semaphore, #tpu.memory_space<semaphore_mem>>)
        %dma_wait3A = arith.constant 0 : i32
        %dma_wait3A_50 = tpu.memref_slice %arg3[%add3A_43, %dma_wait3A] : memref<2560x128xi32, #tpu.memory_space<hbm>> -> memref<1x128xi32, #tpu.memory_space<hbm>>
        %dma_wait3A_51 = tpu.memref_squeeze %dma_wait3A_50 : memref<1x128xi32, #tpu.memory_space<hbm>> -> memref<128xi32, #tpu.memory_space<hbm>>
        %dma_wait3A_52 = arith.constant 0 : i32
        %dma_wait3A_53 = tpu.memref_slice %arg3[%add3A_43, %dma_wait3A_52] : memref<2560x128xi32, #tpu.memory_space<hbm>> -> memref<1x128xi32, #tpu.memory_space<hbm>>
        %dma_wait3A_54 = tpu.memref_squeeze %dma_wait3A_53 : memref<1x128xi32, #tpu.memory_space<hbm>> -> memref<128xi32, #tpu.memory_space<hbm>>
        tpu.wait_dma2 semaphore(%run_scoped3A : memref<!tpu.dma_semaphore, #tpu.memory_space<semaphore_mem>>) src(%dma_wait3A_54 : memref<128xi32, #tpu.memory_space<hbm>>) dst(%arg7 : memref<128xi32, #tpu.memory_space<vmem>>)
        tpu.yield
      }) : () -> ()
      %add3A_44 = arith.addi %mul3A_2, %scan3A_42 : i32
      "tpu.region"() ({
        %run_scoped3A = tpu.sem_alloc : memref<!tpu.dma_semaphore, #tpu.memory_space<semaphore_mem>>
        %dma_start3A = arith.constant 0 : i32
        %dma_start3A_45 = tpu.memref_slice %arg4[%add3A_44, %dma_start3A] : memref<2560x128xi32, #tpu.memory_space<hbm>> -> memref<1x128xi32, #tpu.memory_space<hbm>>
        %dma_start3A_46 = tpu.memref_squeeze %dma_start3A_45 : memref<1x128xi32, #tpu.memory_space<hbm>> -> memref<128xi32, #tpu.memory_space<hbm>>
        %dma_start3A_47 = arith.constant 0 : i32
        %dma_start3A_48 = tpu.memref_slice %arg4[%add3A_44, %dma_start3A_47] : memref<2560x128xi32, #tpu.memory_space<hbm>> -> memref<1x128xi32, #tpu.memory_space<hbm>>
        %dma_start3A_49 = tpu.memref_squeeze %dma_start3A_48 : memref<1x128xi32, #tpu.memory_space<hbm>> -> memref<128xi32, #tpu.memory_space<hbm>>
        tpu.enqueue_dma source(%dma_start3A_49 : memref<128xi32, #tpu.memory_space<hbm>>) target(%arg8 : memref<128xi32, #tpu.memory_space<vmem>>) target_semaphore(%run_scoped3A : memref<!tpu.dma_semaphore, #tpu.memory_space<semaphore_mem>>)
        %dma_wait3A = arith.constant 0 : i32
        %dma_wait3A_50 = tpu.memref_slice %arg4[%add3A_44, %dma_wait3A] : memref<2560x128xi32, #tpu.memory_space<hbm>> -> memref<1x128xi32, #tpu.memory_space<hbm>>
        %dma_wait3A_51 = tpu.memref_squeeze %dma_wait3A_50 : memref<1x128xi32, #tpu.memory_space<hbm>> -> memref<128xi32, #tpu.memory_space<hbm>>
        %dma_wait3A_52 = arith.constant 0 : i32
        %dma_wait3A_53 = tpu.memref_slice %arg4[%add3A_44, %dma_wait3A_52] : memref<2560x128xi32, #tpu.memory_space<hbm>> -> memref<1x128xi32, #tpu.memory_space<hbm>>
        %dma_wait3A_54 = tpu.memref_squeeze %dma_wait3A_53 : memref<1x128xi32, #tpu.memory_space<hbm>> -> memref<128xi32, #tpu.memory_space<hbm>>
        tpu.wait_dma2 semaphore(%run_scoped3A : memref<!tpu.dma_semaphore, #tpu.memory_space<semaphore_mem>>) src(%dma_wait3A_54 : memref<128xi32, #tpu.memory_space<hbm>>) dst(%arg8 : memref<128xi32, #tpu.memory_space<vmem>>)
        tpu.yield
      }) : () -> ()
      "tpu.region"() ({
        %run_scoped3A = tpu.sem_alloc : memref<!tpu.dma_semaphore, #tpu.memory_space<semaphore_mem>>
        %dma_start3A = arith.constant 0 : i32
        %dma_start3A_45 = arith.constant 0 : i32
        %dma_start3A_46 = tpu.memref_slice %arg2[%dma_start3A, %dma_start3A_45] : memref<10000x128xf32, #tpu.memory_space<hbm>> -> memref<10000x128xf32, #tpu.memory_space<hbm>>
        tpu.enqueue_indirect_dma source(%dma_start3A_46 : memref<10000x128xf32, #tpu.memory_space<hbm>>) target(%arg9 : memref<128x128xf32, #tpu.memory_space<vmem>>) offsets(%arg7 : memref<128xi32, #tpu.memory_space<vmem>>) semaphore(%run_scoped3A : memref<!tpu.dma_semaphore, #tpu.memory_space<semaphore_mem>>)
        %dma_wait3A = arith.constant 0 : i32
        %dma_wait3A_47 = arith.constant 0 : i32
        %dma_wait3A_48 = tpu.memref_slice %arg2[%dma_wait3A, %dma_wait3A_47] : memref<10000x128xf32, #tpu.memory_space<hbm>> -> memref<10000x128xf32, #tpu.memory_space<hbm>>
        tpu.wait_indirect_dma semaphore(%run_scoped3A : memref<!tpu.dma_semaphore, #tpu.memory_space<semaphore_mem>>) src(%dma_wait3A_48 : memref<10000x128xf32, #tpu.memory_space<hbm>>) dst(%arg9 : memref<128x128xf32, #tpu.memory_space<vmem>>)
        tpu.yield
      }) : () -> ()
      "tpu.region"() ({
        %run_scoped3A = tpu.sem_alloc : memref<!tpu.dma_semaphore, #tpu.memory_space<semaphore_mem>>
        %dma_start3A = arith.constant 0 : i32
        %dma_start3A_45 = arith.constant 0 : i32
        %dma_start3A_46 = tpu.memref_slice %arg10[%dma_start3A, %dma_start3A_45] : memref<10240x128xf32, #tpu.memory_space<vmem_shared>> -> memref<10240x128xf32, #tpu.memory_space<vmem_shared>>
        tpu.enqueue_indirect_dma source(%arg9 : memref<128x128xf32, #tpu.memory_space<vmem>>) target(%dma_start3A_46 : memref<10240x128xf32, #tpu.memory_space<vmem_shared>>) offsets(%arg8 : memref<128xi32, #tpu.memory_space<vmem>>) semaphore(%run_scoped3A : memref<!tpu.dma_semaphore, #tpu.memory_space<semaphore_mem>>) {add = true}
        %dma_wait3A = arith.constant 0 : i32
        %dma_wait3A_47 = arith.constant 0 : i32
        %dma_wait3A_48 = tpu.memref_slice %arg10[%dma_wait3A, %dma_wait3A_47] : memref<10240x128xf32, #tpu.memory_space<vmem_shared>> -> memref<10240x128xf32, #tpu.memory_space<vmem_shared>>
        tpu.wait_indirect_dma semaphore(%run_scoped3A : memref<!tpu.dma_semaphore, #tpu.memory_space<semaphore_mem>>) src(%arg9 : memref<128x128xf32, #tpu.memory_space<vmem>>) dst(%dma_wait3A_48 : memref<10240x128xf32, #tpu.memory_space<vmem_shared>>)
        tpu.yield
      }) : () -> ()
    }
    %scan3A_33 = arith.constant 80 : i32
    %barrier3A_34 = arith.constant 0 : index
    tpu.barrier barrier_id(%barrier3A_34)
    %mul3A_35 = arith.constant 640 : i32
    %mul3A_36 = arith.muli %arg1, %mul3A_35 : i32
    %mul3A_37 = arith.constant 10240 : i32
    %mul3A_38 = arith.muli %arg0, %mul3A_37 : i32
    %mul3A_39 = arith.constant 640 : i32
    %mul3A_40 = arith.muli %arg1, %mul3A_39 : i32
    %add3A_41 = arith.addi %mul3A_38, %mul3A_40 : i32
    "tpu.region"() ({
      %run_scoped3A = tpu.sem_alloc : memref<!tpu.dma_semaphore, #tpu.memory_space<semaphore_mem>>
      %dma_start3A = arith.constant 0 : i32
      %dma_start3A_42 = tpu.memref_slice %arg6[%add3A_41, %dma_start3A] : memref<20480x128xf32, #tpu.memory_space<hbm>> -> memref<640x128xf32, #tpu.memory_space<hbm>>
      %dma_start3A_43 = arith.constant 0 : i32
      %dma_start3A_44 = tpu.memref_slice %arg10[%mul3A_36, %dma_start3A_43] : memref<10240x128xf32, #tpu.memory_space<vmem_shared>> -> memref<640x128xf32, #tpu.memory_space<vmem_shared>>
      tpu.enqueue_dma source(%dma_start3A_44 : memref<640x128xf32, #tpu.memory_space<vmem_shared>>) target(%dma_start3A_42 : memref<640x128xf32, #tpu.memory_space<hbm>>) target_semaphore(%run_scoped3A : memref<!tpu.dma_semaphore, #tpu.memory_space<semaphore_mem>>)
      %dma_wait3A = arith.constant 0 : i32
      %dma_wait3A_45 = tpu.memref_slice %arg6[%add3A_41, %dma_wait3A] : memref<20480x128xf32, #tpu.memory_space<hbm>> -> memref<640x128xf32, #tpu.memory_space<hbm>>
      %dma_wait3A_46 = arith.constant 0 : i32
      %dma_wait3A_47 = tpu.memref_slice %arg10[%mul3A_36, %dma_wait3A_46] : memref<10240x128xf32, #tpu.memory_space<vmem_shared>> -> memref<640x128xf32, #tpu.memory_space<vmem_shared>>
      tpu.wait_dma2 semaphore(%run_scoped3A : memref<!tpu.dma_semaphore, #tpu.memory_space<semaphore_mem>>) src(%dma_wait3A_47 : memref<640x128xf32, #tpu.memory_space<vmem_shared>>) dst(%dma_wait3A_45 : memref<640x128xf32, #tpu.memory_space<hbm>>)
      tpu.yield
    }) : () -> ()
    return
  }
}

#map = affine_map<(d0, d1) -> (0, 0)>
module attributes {stable_mosaic.version = 14 : i64} {
  func.func @_deg_body(%arg0: i32, %arg1: i32, %arg2: memref<2560x128xi32, #tpu.memory_space<hbm>>, %arg3: memref<80x128xi32, #tpu.memory_space<hbm>>, %arg4: memref<20480x16xf32, #tpu.memory_space<hbm>>, %arg5: memref<128xi32, #tpu.memory_space<vmem>>, %arg6: memref<128x16xf32, #tpu.memory_space<vmem>>, %arg7: memref<128x16xf32, #tpu.memory_space<vmem>>, %arg8: memref<10240x16xf32, #tpu.memory_space<vmem_shared>>) attributes {dimension_semantics = [#tpu.dimension_semantics<core_parallel>, #tpu.dimension_semantics<subcore_parallel>], iteration_bounds = array<i64: 2, 16>, scalar_prefetch = 0 : i64, scratch_operands = 4 : i64, tpu.core_type = #tpu.core_type<sc_vector_subcore>, window_params = [{transform_indices = #map}, {transform_indices = #map}, {transform_indices = #map}]} {
    %mul3A = arith.constant 2 : i32
    %mul3A_0 = arith.muli %arg1, %mul3A : i32
    %add3A = arith.addi %mul3A_0, %arg0 : i32
    %scan3A = arith.constant 0 : i32
    %scan3A_1 = arith.constant 0 : i32
    %scan3A_2 = arith.constant 128 : i32
    %scan3A_3 = arith.addi %scan3A_1, %scan3A_2 : i32
    %scan3A_4 = arith.constant 1 : i32
    scf.for %scan3A_40 = %scan3A_1 to %scan3A_3 step %scan3A_4  : i32 {
      %broadcast_in_dim3A = arith.constant 0.000000e+00 : f32
      %broadcast_in_dim3A_41 = vector.broadcast %broadcast_in_dim3A : f32 to vector<16xf32>
      %swap3A = arith.index_cast %scan3A_40 : i32 to index
      %swap3A_42 = arith.constant 0 : index
      %swap3A_43 = tpu.vector_load %arg7[%swap3A, %swap3A_42] {strides = array<i32>} : memref<128x16xf32, #tpu.memory_space<vmem>>, vector<1x16xf32>,
      %swap3A_44 = vector.shape_cast %swap3A_43 : vector<1x16xf32> to vector<16xf32>
      %swap3A_45 = vector.shape_cast %broadcast_in_dim3A_41 : vector<16xf32> to vector<1x16xf32>
      tpu.vector_store %arg7[%swap3A, %swap3A_42], %swap3A_45 {strides = array<i32>} : memref<128x16xf32, #tpu.memory_space<vmem>>, vector<1x16xf32>,
      %broadcast_in_dim3A_46 = arith.constant 1.000000e+00 : f32
      %broadcast_in_dim3A_47 = vector.broadcast %broadcast_in_dim3A_46 : f32 to vector<16xf32>
      %swap3A_48 = arith.index_cast %scan3A_40 : i32 to index
      %swap3A_49 = arith.constant 0 : index
      %swap3A_50 = tpu.vector_load %arg6[%swap3A_48, %swap3A_49] {strides = array<i32>} : memref<128x16xf32, #tpu.memory_space<vmem>>, vector<1x16xf32>,
      %swap3A_51 = vector.shape_cast %swap3A_50 : vector<1x16xf32> to vector<16xf32>
      %swap3A_52 = vector.shape_cast %broadcast_in_dim3A_47 : vector<16xf32> to vector<1x16xf32>
      tpu.vector_store %arg6[%swap3A_48, %swap3A_49], %swap3A_52 {strides = array<i32>} : memref<128x16xf32, #tpu.memory_space<vmem>>, vector<1x16xf32>,
    }
    %scan3A_5 = arith.constant 128 : i32
    %mul3A_6 = arith.constant 5 : i32
    %mul3A_7 = arith.muli %arg1, %mul3A_6 : i32
    %add3A_8 = arith.constant 0 : i32
    %add3A_9 = arith.addi %mul3A_7, %add3A_8 : i32
    "tpu.region"() ({
      %run_scoped3A = tpu.sem_alloc : memref<!tpu.dma_semaphore, #tpu.memory_space<semaphore_mem>>
      %dma_start3A = arith.constant 0 : i32
      %dma_start3A_40 = tpu.memref_slice %arg3[%add3A_9, %dma_start3A] : memref<80x128xi32, #tpu.memory_space<hbm>> -> memref<1x128xi32, #tpu.memory_space<hbm>>
      %dma_start3A_41 = tpu.memref_squeeze %dma_start3A_40 : memref<1x128xi32, #tpu.memory_space<hbm>> -> memref<128xi32, #tpu.memory_space<hbm>>
      %dma_start3A_42 = arith.constant 0 : i32
      %dma_start3A_43 = tpu.memref_slice %arg3[%add3A_9, %dma_start3A_42] : memref<80x128xi32, #tpu.memory_space<hbm>> -> memref<1x128xi32, #tpu.memory_space<hbm>>
      %dma_start3A_44 = tpu.memref_squeeze %dma_start3A_43 : memref<1x128xi32, #tpu.memory_space<hbm>> -> memref<128xi32, #tpu.memory_space<hbm>>
      tpu.enqueue_dma source(%dma_start3A_44 : memref<128xi32, #tpu.memory_space<hbm>>) target(%arg5 : memref<128xi32, #tpu.memory_space<vmem>>) target_semaphore(%run_scoped3A : memref<!tpu.dma_semaphore, #tpu.memory_space<semaphore_mem>>)
      %dma_wait3A = arith.constant 0 : i32
      %dma_wait3A_45 = tpu.memref_slice %arg3[%add3A_9, %dma_wait3A] : memref<80x128xi32, #tpu.memory_space<hbm>> -> memref<1x128xi32, #tpu.memory_space<hbm>>
      %dma_wait3A_46 = tpu.memref_squeeze %dma_wait3A_45 : memref<1x128xi32, #tpu.memory_space<hbm>> -> memref<128xi32, #tpu.memory_space<hbm>>
      %dma_wait3A_47 = arith.constant 0 : i32
      %dma_wait3A_48 = tpu.memref_slice %arg3[%add3A_9, %dma_wait3A_47] : memref<80x128xi32, #tpu.memory_space<hbm>> -> memref<1x128xi32, #tpu.memory_space<hbm>>
      %dma_wait3A_49 = tpu.memref_squeeze %dma_wait3A_48 : memref<1x128xi32, #tpu.memory_space<hbm>> -> memref<128xi32, #tpu.memory_space<hbm>>
      tpu.wait_dma2 semaphore(%run_scoped3A : memref<!tpu.dma_semaphore, #tpu.memory_space<semaphore_mem>>) src(%dma_wait3A_49 : memref<128xi32, #tpu.memory_space<hbm>>) dst(%arg5 : memref<128xi32, #tpu.memory_space<vmem>>)
      tpu.yield
    }) : () -> ()
    "tpu.region"() ({
      %run_scoped3A = tpu.sem_alloc : memref<!tpu.dma_semaphore, #tpu.memory_space<semaphore_mem>>
      %dma_start3A = arith.constant 0 : i32
      %dma_start3A_40 = arith.constant 0 : i32
      %dma_start3A_41 = tpu.memref_slice %arg8[%dma_start3A, %dma_start3A_40] : memref<10240x16xf32, #tpu.memory_space<vmem_shared>> -> memref<10240x16xf32, #tpu.memory_space<vmem_shared>>
      tpu.enqueue_indirect_dma source(%arg7 : memref<128x16xf32, #tpu.memory_space<vmem>>) target(%dma_start3A_41 : memref<10240x16xf32, #tpu.memory_space<vmem_shared>>) offsets(%arg5 : memref<128xi32, #tpu.memory_space<vmem>>) semaphore(%run_scoped3A : memref<!tpu.dma_semaphore, #tpu.memory_space<semaphore_mem>>)
      %dma_wait3A = arith.constant 0 : i32
      %dma_wait3A_42 = arith.constant 0 : i32
      %dma_wait3A_43 = tpu.memref_slice %arg8[%dma_wait3A, %dma_wait3A_42] : memref<10240x16xf32, #tpu.memory_space<vmem_shared>> -> memref<10240x16xf32, #tpu.memory_space<vmem_shared>>
      tpu.wait_indirect_dma semaphore(%run_scoped3A : memref<!tpu.dma_semaphore, #tpu.memory_space<semaphore_mem>>) src(%arg7 : memref<128x16xf32, #tpu.memory_space<vmem>>) dst(%dma_wait3A_43 : memref<10240x16xf32, #tpu.memory_space<vmem_shared>>)
      tpu.yield
    }) : () -> ()
    %mul3A_10 = arith.constant 5 : i32
    %mul3A_11 = arith.muli %arg1, %mul3A_10 : i32
    %add3A_12 = arith.constant 1 : i32
    %add3A_13 = arith.addi %mul3A_11, %add3A_12 : i32
    "tpu.region"() ({
      %run_scoped3A = tpu.sem_alloc : memref<!tpu.dma_semaphore, #tpu.memory_space<semaphore_mem>>
      %dma_start3A = arith.constant 0 : i32
      %dma_start3A_40 = tpu.memref_slice %arg3[%add3A_13, %dma_start3A] : memref<80x128xi32, #tpu.memory_space<hbm>> -> memref<1x128xi32, #tpu.memory_space<hbm>>
      %dma_start3A_41 = tpu.memref_squeeze %dma_start3A_40 : memref<1x128xi32, #tpu.memory_space<hbm>> -> memref<128xi32, #tpu.memory_space<hbm>>
      %dma_start3A_42 = arith.constant 0 : i32
      %dma_start3A_43 = tpu.memref_slice %arg3[%add3A_13, %dma_start3A_42] : memref<80x128xi32, #tpu.memory_space<hbm>> -> memref<1x128xi32, #tpu.memory_space<hbm>>
      %dma_start3A_44 = tpu.memref_squeeze %dma_start3A_43 : memref<1x128xi32, #tpu.memory_space<hbm>> -> memref<128xi32, #tpu.memory_space<hbm>>
      tpu.enqueue_dma source(%dma_start3A_44 : memref<128xi32, #tpu.memory_space<hbm>>) target(%arg5 : memref<128xi32, #tpu.memory_space<vmem>>) target_semaphore(%run_scoped3A : memref<!tpu.dma_semaphore, #tpu.memory_space<semaphore_mem>>)
      %dma_wait3A = arith.constant 0 : i32
      %dma_wait3A_45 = tpu.memref_slice %arg3[%add3A_13, %dma_wait3A] : memref<80x128xi32, #tpu.memory_space<hbm>> -> memref<1x128xi32, #tpu.memory_space<hbm>>
      %dma_wait3A_46 = tpu.memref_squeeze %dma_wait3A_45 : memref<1x128xi32, #tpu.memory_space<hbm>> -> memref<128xi32, #tpu.memory_space<hbm>>
      %dma_wait3A_47 = arith.constant 0 : i32
      %dma_wait3A_48 = tpu.memref_slice %arg3[%add3A_13, %dma_wait3A_47] : memref<80x128xi32, #tpu.memory_space<hbm>> -> memref<1x128xi32, #tpu.memory_space<hbm>>
      %dma_wait3A_49 = tpu.memref_squeeze %dma_wait3A_48 : memref<1x128xi32, #tpu.memory_space<hbm>> -> memref<128xi32, #tpu.memory_space<hbm>>
      tpu.wait_dma2 semaphore(%run_scoped3A : memref<!tpu.dma_semaphore, #tpu.memory_space<semaphore_mem>>) src(%dma_wait3A_49 : memref<128xi32, #tpu.memory_space<hbm>>) dst(%arg5 : memref<128xi32, #tpu.memory_space<vmem>>)
      tpu.yield
    }) : () -> ()
    "tpu.region"() ({
      %run_scoped3A = tpu.sem_alloc : memref<!tpu.dma_semaphore, #tpu.memory_space<semaphore_mem>>
      %dma_start3A = arith.constant 0 : i32
      %dma_start3A_40 = arith.constant 0 : i32
      %dma_start3A_41 = tpu.memref_slice %arg8[%dma_start3A, %dma_start3A_40] : memref<10240x16xf32, #tpu.memory_space<vmem_shared>> -> memref<10240x16xf32, #tpu.memory_space<vmem_shared>>
      tpu.enqueue_indirect_dma source(%arg7 : memref<128x16xf32, #tpu.memory_space<vmem>>) target(%dma_start3A_41 : memref<10240x16xf32, #tpu.memory_space<vmem_shared>>) offsets(%arg5 : memref<128xi32, #tpu.memory_space<vmem>>) semaphore(%run_scoped3A : memref<!tpu.dma_semaphore, #tpu.memory_space<semaphore_mem>>)
      %dma_wait3A = arith.constant 0 : i32
      %dma_wait3A_42 = arith.constant 0 : i32
      %dma_wait3A_43 = tpu.memref_slice %arg8[%dma_wait3A, %dma_wait3A_42] : memref<10240x16xf32, #tpu.memory_space<vmem_shared>> -> memref<10240x16xf32, #tpu.memory_space<vmem_shared>>
      tpu.wait_indirect_dma semaphore(%run_scoped3A : memref<!tpu.dma_semaphore, #tpu.memory_space<semaphore_mem>>) src(%arg7 : memref<128x16xf32, #tpu.memory_space<vmem>>) dst(%dma_wait3A_43 : memref<10240x16xf32, #tpu.memory_space<vmem_shared>>)
      tpu.yield
    }) : () -> ()
    %mul3A_14 = arith.constant 5 : i32
    %mul3A_15 = arith.muli %arg1, %mul3A_14 : i32
    %add3A_16 = arith.constant 2 : i32
    %add3A_17 = arith.addi %mul3A_15, %add3A_16 : i32
    "tpu.region"() ({
      %run_scoped3A = tpu.sem_alloc : memref<!tpu.dma_semaphore, #tpu.memory_space<semaphore_mem>>
      %dma_start3A = arith.constant 0 : i32
      %dma_start3A_40 = tpu.memref_slice %arg3[%add3A_17, %dma_start3A] : memref<80x128xi32, #tpu.memory_space<hbm>> -> memref<1x128xi32, #tpu.memory_space<hbm>>
      %dma_start3A_41 = tpu.memref_squeeze %dma_start3A_40 : memref<1x128xi32, #tpu.memory_space<hbm>> -> memref<128xi32, #tpu.memory_space<hbm>>
      %dma_start3A_42 = arith.constant 0 : i32
      %dma_start3A_43 = tpu.memref_slice %arg3[%add3A_17, %dma_start3A_42] : memref<80x128xi32, #tpu.memory_space<hbm>> -> memref<1x128xi32, #tpu.memory_space<hbm>>
      %dma_start3A_44 = tpu.memref_squeeze %dma_start3A_43 : memref<1x128xi32, #tpu.memory_space<hbm>> -> memref<128xi32, #tpu.memory_space<hbm>>
      tpu.enqueue_dma source(%dma_start3A_44 : memref<128xi32, #tpu.memory_space<hbm>>) target(%arg5 : memref<128xi32, #tpu.memory_space<vmem>>) target_semaphore(%run_scoped3A : memref<!tpu.dma_semaphore, #tpu.memory_space<semaphore_mem>>)
      %dma_wait3A = arith.constant 0 : i32
      %dma_wait3A_45 = tpu.memref_slice %arg3[%add3A_17, %dma_wait3A] : memref<80x128xi32, #tpu.memory_space<hbm>> -> memref<1x128xi32, #tpu.memory_space<hbm>>
      %dma_wait3A_46 = tpu.memref_squeeze %dma_wait3A_45 : memref<1x128xi32, #tpu.memory_space<hbm>> -> memref<128xi32, #tpu.memory_space<hbm>>
      %dma_wait3A_47 = arith.constant 0 : i32
      %dma_wait3A_48 = tpu.memref_slice %arg3[%add3A_17, %dma_wait3A_47] : memref<80x128xi32, #tpu.memory_space<hbm>> -> memref<1x128xi32, #tpu.memory_space<hbm>>
      %dma_wait3A_49 = tpu.memref_squeeze %dma_wait3A_48 : memref<1x128xi32, #tpu.memory_space<hbm>> -> memref<128xi32, #tpu.memory_space<hbm>>
      tpu.wait_dma2 semaphore(%run_scoped3A : memref<!tpu.dma_semaphore, #tpu.memory_space<semaphore_mem>>) src(%dma_wait3A_49 : memref<128xi32, #tpu.memory_space<hbm>>) dst(%arg5 : memref<128xi32, #tpu.memory_space<vmem>>)
      tpu.yield
    }) : () -> ()
    "tpu.region"() ({
      %run_scoped3A = tpu.sem_alloc : memref<!tpu.dma_semaphore, #tpu.memory_space<semaphore_mem>>
      %dma_start3A = arith.constant 0 : i32
      %dma_start3A_40 = arith.constant 0 : i32
      %dma_start3A_41 = tpu.memref_slice %arg8[%dma_start3A, %dma_start3A_40] : memref<10240x16xf32, #tpu.memory_space<vmem_shared>> -> memref<10240x16xf32, #tpu.memory_space<vmem_shared>>
      tpu.enqueue_indirect_dma source(%arg7 : memref<128x16xf32, #tpu.memory_space<vmem>>) target(%dma_start3A_41 : memref<10240x16xf32, #tpu.memory_space<vmem_shared>>) offsets(%arg5 : memref<128xi32, #tpu.memory_space<vmem>>) semaphore(%run_scoped3A : memref<!tpu.dma_semaphore, #tpu.memory_space<semaphore_mem>>)
      %dma_wait3A = arith.constant 0 : i32
      %dma_wait3A_42 = arith.constant 0 : i32
      %dma_wait3A_43 = tpu.memref_slice %arg8[%dma_wait3A, %dma_wait3A_42] : memref<10240x16xf32, #tpu.memory_space<vmem_shared>> -> memref<10240x16xf32, #tpu.memory_space<vmem_shared>>
      tpu.wait_indirect_dma semaphore(%run_scoped3A : memref<!tpu.dma_semaphore, #tpu.memory_space<semaphore_mem>>) src(%arg7 : memref<128x16xf32, #tpu.memory_space<vmem>>) dst(%dma_wait3A_43 : memref<10240x16xf32, #tpu.memory_space<vmem_shared>>)
      tpu.yield
    }) : () -> ()
    %mul3A_18 = arith.constant 5 : i32
    %mul3A_19 = arith.muli %arg1, %mul3A_18 : i32
    %add3A_20 = arith.constant 3 : i32
    %add3A_21 = arith.addi %mul3A_19, %add3A_20 : i32
    "tpu.region"() ({
      %run_scoped3A = tpu.sem_alloc : memref<!tpu.dma_semaphore, #tpu.memory_space<semaphore_mem>>
      %dma_start3A = arith.constant 0 : i32
      %dma_start3A_40 = tpu.memref_slice %arg3[%add3A_21, %dma_start3A] : memref<80x128xi32, #tpu.memory_space<hbm>> -> memref<1x128xi32, #tpu.memory_space<hbm>>
      %dma_start3A_41 = tpu.memref_squeeze %dma_start3A_40 : memref<1x128xi32, #tpu.memory_space<hbm>> -> memref<128xi32, #tpu.memory_space<hbm>>
      %dma_start3A_42 = arith.constant 0 : i32
      %dma_start3A_43 = tpu.memref_slice %arg3[%add3A_21, %dma_start3A_42] : memref<80x128xi32, #tpu.memory_space<hbm>> -> memref<1x128xi32, #tpu.memory_space<hbm>>
      %dma_start3A_44 = tpu.memref_squeeze %dma_start3A_43 : memref<1x128xi32, #tpu.memory_space<hbm>> -> memref<128xi32, #tpu.memory_space<hbm>>
      tpu.enqueue_dma source(%dma_start3A_44 : memref<128xi32, #tpu.memory_space<hbm>>) target(%arg5 : memref<128xi32, #tpu.memory_space<vmem>>) target_semaphore(%run_scoped3A : memref<!tpu.dma_semaphore, #tpu.memory_space<semaphore_mem>>)
      %dma_wait3A = arith.constant 0 : i32
      %dma_wait3A_45 = tpu.memref_slice %arg3[%add3A_21, %dma_wait3A] : memref<80x128xi32, #tpu.memory_space<hbm>> -> memref<1x128xi32, #tpu.memory_space<hbm>>
      %dma_wait3A_46 = tpu.memref_squeeze %dma_wait3A_45 : memref<1x128xi32, #tpu.memory_space<hbm>> -> memref<128xi32, #tpu.memory_space<hbm>>
      %dma_wait3A_47 = arith.constant 0 : i32
      %dma_wait3A_48 = tpu.memref_slice %arg3[%add3A_21, %dma_wait3A_47] : memref<80x128xi32, #tpu.memory_space<hbm>> -> memref<1x128xi32, #tpu.memory_space<hbm>>
      %dma_wait3A_49 = tpu.memref_squeeze %dma_wait3A_48 : memref<1x128xi32, #tpu.memory_space<hbm>> -> memref<128xi32, #tpu.memory_space<hbm>>
      tpu.wait_dma2 semaphore(%run_scoped3A : memref<!tpu.dma_semaphore, #tpu.memory_space<semaphore_mem>>) src(%dma_wait3A_49 : memref<128xi32, #tpu.memory_space<hbm>>) dst(%arg5 : memref<128xi32, #tpu.memory_space<vmem>>)
      tpu.yield
    }) : () -> ()
    "tpu.region"() ({
      %run_scoped3A = tpu.sem_alloc : memref<!tpu.dma_semaphore, #tpu.memory_space<semaphore_mem>>
      %dma_start3A = arith.constant 0 : i32
      %dma_start3A_40 = arith.constant 0 : i32
      %dma_start3A_41 = tpu.memref_slice %arg8[%dma_start3A, %dma_start3A_40] : memref<10240x16xf32, #tpu.memory_space<vmem_shared>> -> memref<10240x16xf32, #tpu.memory_space<vmem_shared>>
      tpu.enqueue_indirect_dma source(%arg7 : memref<128x16xf32, #tpu.memory_space<vmem>>) target(%dma_start3A_41 : memref<10240x16xf32, #tpu.memory_space<vmem_shared>>) offsets(%arg5 : memref<128xi32, #tpu.memory_space<vmem>>) semaphore(%run_scoped3A : memref<!tpu.dma_semaphore, #tpu.memory_space<semaphore_mem>>)
      %dma_wait3A = arith.constant 0 : i32
      %dma_wait3A_42 = arith.constant 0 : i32
      %dma_wait3A_43 = tpu.memref_slice %arg8[%dma_wait3A, %dma_wait3A_42] : memref<10240x16xf32, #tpu.memory_space<vmem_shared>> -> memref<10240x16xf32, #tpu.memory_space<vmem_shared>>
      tpu.wait_indirect_dma semaphore(%run_scoped3A : memref<!tpu.dma_semaphore, #tpu.memory_space<semaphore_mem>>) src(%arg7 : memref<128x16xf32, #tpu.memory_space<vmem>>) dst(%dma_wait3A_43 : memref<10240x16xf32, #tpu.memory_space<vmem_shared>>)
      tpu.yield
    }) : () -> ()
    %mul3A_22 = arith.constant 5 : i32
    %mul3A_23 = arith.muli %arg1, %mul3A_22 : i32
    %add3A_24 = arith.constant 4 : i32
    %add3A_25 = arith.addi %mul3A_23, %add3A_24 : i32
    "tpu.region"() ({
      %run_scoped3A = tpu.sem_alloc : memref<!tpu.dma_semaphore, #tpu.memory_space<semaphore_mem>>
      %dma_start3A = arith.constant 0 : i32
      %dma_start3A_40 = tpu.memref_slice %arg3[%add3A_25, %dma_start3A] : memref<80x128xi32, #tpu.memory_space<hbm>> -> memref<1x128xi32, #tpu.memory_space<hbm>>
      %dma_start3A_41 = tpu.memref_squeeze %dma_start3A_40 : memref<1x128xi32, #tpu.memory_space<hbm>> -> memref<128xi32, #tpu.memory_space<hbm>>
      %dma_start3A_42 = arith.constant 0 : i32
      %dma_start3A_43 = tpu.memref_slice %arg3[%add3A_25, %dma_start3A_42] : memref<80x128xi32, #tpu.memory_space<hbm>> -> memref<1x128xi32, #tpu.memory_space<hbm>>
      %dma_start3A_44 = tpu.memref_squeeze %dma_start3A_43 : memref<1x128xi32, #tpu.memory_space<hbm>> -> memref<128xi32, #tpu.memory_space<hbm>>
      tpu.enqueue_dma source(%dma_start3A_44 : memref<128xi32, #tpu.memory_space<hbm>>) target(%arg5 : memref<128xi32, #tpu.memory_space<vmem>>) target_semaphore(%run_scoped3A : memref<!tpu.dma_semaphore, #tpu.memory_space<semaphore_mem>>)
      %dma_wait3A = arith.constant 0 : i32
      %dma_wait3A_45 = tpu.memref_slice %arg3[%add3A_25, %dma_wait3A] : memref<80x128xi32, #tpu.memory_space<hbm>> -> memref<1x128xi32, #tpu.memory_space<hbm>>
      %dma_wait3A_46 = tpu.memref_squeeze %dma_wait3A_45 : memref<1x128xi32, #tpu.memory_space<hbm>> -> memref<128xi32, #tpu.memory_space<hbm>>
      %dma_wait3A_47 = arith.constant 0 : i32
      %dma_wait3A_48 = tpu.memref_slice %arg3[%add3A_25, %dma_wait3A_47] : memref<80x128xi32, #tpu.memory_space<hbm>> -> memref<1x128xi32, #tpu.memory_space<hbm>>
      %dma_wait3A_49 = tpu.memref_squeeze %dma_wait3A_48 : memref<1x128xi32, #tpu.memory_space<hbm>> -> memref<128xi32, #tpu.memory_space<hbm>>
      tpu.wait_dma2 semaphore(%run_scoped3A : memref<!tpu.dma_semaphore, #tpu.memory_space<semaphore_mem>>) src(%dma_wait3A_49 : memref<128xi32, #tpu.memory_space<hbm>>) dst(%arg5 : memref<128xi32, #tpu.memory_space<vmem>>)
      tpu.yield
    }) : () -> ()
    "tpu.region"() ({
      %run_scoped3A = tpu.sem_alloc : memref<!tpu.dma_semaphore, #tpu.memory_space<semaphore_mem>>
      %dma_start3A = arith.constant 0 : i32
      %dma_start3A_40 = arith.constant 0 : i32
      %dma_start3A_41 = tpu.memref_slice %arg8[%dma_start3A, %dma_start3A_40] : memref<10240x16xf32, #tpu.memory_space<vmem_shared>> -> memref<10240x16xf32, #tpu.memory_space<vmem_shared>>
      tpu.enqueue_indirect_dma source(%arg7 : memref<128x16xf32, #tpu.memory_space<vmem>>) target(%dma_start3A_41 : memref<10240x16xf32, #tpu.memory_space<vmem_shared>>) offsets(%arg5 : memref<128xi32, #tpu.memory_space<vmem>>) semaphore(%run_scoped3A : memref<!tpu.dma_semaphore, #tpu.memory_space<semaphore_mem>>)
      %dma_wait3A = arith.constant 0 : i32
      %dma_wait3A_42 = arith.constant 0 : i32
      %dma_wait3A_43 = tpu.memref_slice %arg8[%dma_wait3A, %dma_wait3A_42] : memref<10240x16xf32, #tpu.memory_space<vmem_shared>> -> memref<10240x16xf32, #tpu.memory_space<vmem_shared>>
      tpu.wait_indirect_dma semaphore(%run_scoped3A : memref<!tpu.dma_semaphore, #tpu.memory_space<semaphore_mem>>) src(%arg7 : memref<128x16xf32, #tpu.memory_space<vmem>>) dst(%dma_wait3A_43 : memref<10240x16xf32, #tpu.memory_space<vmem_shared>>)
      tpu.yield
    }) : () -> ()
    %barrier3A = arith.constant 0 : index
    tpu.barrier barrier_id(%barrier3A)
    %scan3A_26 = arith.constant 0 : i32
    %scan3A_27 = arith.constant 0 : i32
    %scan3A_28 = arith.constant 80 : i32
    %scan3A_29 = arith.addi %scan3A_27, %scan3A_28 : i32
    %scan3A_30 = arith.constant 1 : i32
    scf.for %scan3A_40 = %scan3A_27 to %scan3A_29 step %scan3A_30  : i32 {
      %mul3A_41 = arith.constant 80 : i32
      %mul3A_42 = arith.muli %add3A, %mul3A_41 : i32
      %add3A_43 = arith.addi %mul3A_42, %scan3A_40 : i32
      "tpu.region"() ({
        %run_scoped3A = tpu.sem_alloc : memref<!tpu.dma_semaphore, #tpu.memory_space<semaphore_mem>>
        %dma_start3A = arith.constant 0 : i32
        %dma_start3A_44 = tpu.memref_slice %arg2[%add3A_43, %dma_start3A] : memref<2560x128xi32, #tpu.memory_space<hbm>> -> memref<1x128xi32, #tpu.memory_space<hbm>>
        %dma_start3A_45 = tpu.memref_squeeze %dma_start3A_44 : memref<1x128xi32, #tpu.memory_space<hbm>> -> memref<128xi32, #tpu.memory_space<hbm>>
        %dma_start3A_46 = arith.constant 0 : i32
        %dma_start3A_47 = tpu.memref_slice %arg2[%add3A_43, %dma_start3A_46] : memref<2560x128xi32, #tpu.memory_space<hbm>> -> memref<1x128xi32, #tpu.memory_space<hbm>>
        %dma_start3A_48 = tpu.memref_squeeze %dma_start3A_47 : memref<1x128xi32, #tpu.memory_space<hbm>> -> memref<128xi32, #tpu.memory_space<hbm>>
        tpu.enqueue_dma source(%dma_start3A_48 : memref<128xi32, #tpu.memory_space<hbm>>) target(%arg5 : memref<128xi32, #tpu.memory_space<vmem>>) target_semaphore(%run_scoped3A : memref<!tpu.dma_semaphore, #tpu.memory_space<semaphore_mem>>)
        %dma_wait3A = arith.constant 0 : i32
        %dma_wait3A_49 = tpu.memref_slice %arg2[%add3A_43, %dma_wait3A] : memref<2560x128xi32, #tpu.memory_space<hbm>> -> memref<1x128xi32, #tpu.memory_space<hbm>>
        %dma_wait3A_50 = tpu.memref_squeeze %dma_wait3A_49 : memref<1x128xi32, #tpu.memory_space<hbm>> -> memref<128xi32, #tpu.memory_space<hbm>>
        %dma_wait3A_51 = arith.constant 0 : i32
        %dma_wait3A_52 = tpu.memref_slice %arg2[%add3A_43, %dma_wait3A_51] : memref<2560x128xi32, #tpu.memory_space<hbm>> -> memref<1x128xi32, #tpu.memory_space<hbm>>
        %dma_wait3A_53 = tpu.memref_squeeze %dma_wait3A_52 : memref<1x128xi32, #tpu.memory_space<hbm>> -> memref<128xi32, #tpu.memory_space<hbm>>
        tpu.wait_dma2 semaphore(%run_scoped3A : memref<!tpu.dma_semaphore, #tpu.memory_space<semaphore_mem>>) src(%dma_wait3A_53 : memref<128xi32, #tpu.memory_space<hbm>>) dst(%arg5 : memref<128xi32, #tpu.memory_space<vmem>>)
        tpu.yield
      }) : () -> ()
      "tpu.region"() ({
        %run_scoped3A = tpu.sem_alloc : memref<!tpu.dma_semaphore, #tpu.memory_space<semaphore_mem>>
        %dma_start3A = arith.constant 0 : i32
        %dma_start3A_44 = arith.constant 0 : i32
        %dma_start3A_45 = tpu.memref_slice %arg8[%dma_start3A, %dma_start3A_44] : memref<10240x16xf32, #tpu.memory_space<vmem_shared>> -> memref<10240x16xf32, #tpu.memory_space<vmem_shared>>
        tpu.enqueue_indirect_dma source(%arg6 : memref<128x16xf32, #tpu.memory_space<vmem>>) target(%dma_start3A_45 : memref<10240x16xf32, #tpu.memory_space<vmem_shared>>) offsets(%arg5 : memref<128xi32, #tpu.memory_space<vmem>>) semaphore(%run_scoped3A : memref<!tpu.dma_semaphore, #tpu.memory_space<semaphore_mem>>) {add = true}
        %dma_wait3A = arith.constant 0 : i32
        %dma_wait3A_46 = arith.constant 0 : i32
        %dma_wait3A_47 = tpu.memref_slice %arg8[%dma_wait3A, %dma_wait3A_46] : memref<10240x16xf32, #tpu.memory_space<vmem_shared>> -> memref<10240x16xf32, #tpu.memory_space<vmem_shared>>
        tpu.wait_indirect_dma semaphore(%run_scoped3A : memref<!tpu.dma_semaphore, #tpu.memory_space<semaphore_mem>>) src(%arg6 : memref<128x16xf32, #tpu.memory_space<vmem>>) dst(%dma_wait3A_47 : memref<10240x16xf32, #tpu.memory_space<vmem_shared>>)
        tpu.yield
      }) : () -> ()
    }
    %scan3A_31 = arith.constant 80 : i32
    %barrier3A_32 = arith.constant 0 : index
    tpu.barrier barrier_id(%barrier3A_32)
    %mul3A_33 = arith.constant 640 : i32
    %mul3A_34 = arith.muli %arg1, %mul3A_33 : i32
    %mul3A_35 = arith.constant 10240 : i32
    %mul3A_36 = arith.muli %arg0, %mul3A_35 : i32
    %mul3A_37 = arith.constant 640 : i32
    %mul3A_38 = arith.muli %arg1, %mul3A_37 : i32
    %add3A_39 = arith.addi %mul3A_36, %mul3A_38 : i32
    "tpu.region"() ({
      %run_scoped3A = tpu.sem_alloc : memref<!tpu.dma_semaphore, #tpu.memory_space<semaphore_mem>>
      %dma_start3A = arith.constant 0 : i32
      %dma_start3A_40 = tpu.memref_slice %arg4[%add3A_39, %dma_start3A] : memref<20480x16xf32, #tpu.memory_space<hbm>> -> memref<640x16xf32, #tpu.memory_space<hbm>>
      %dma_start3A_41 = arith.constant 0 : i32
      %dma_start3A_42 = tpu.memref_slice %arg8[%mul3A_34, %dma_start3A_41] : memref<10240x16xf32, #tpu.memory_space<vmem_shared>> -> memref<640x16xf32, #tpu.memory_space<vmem_shared>>
      tpu.enqueue_dma source(%dma_start3A_42 : memref<640x16xf32, #tpu.memory_space<vmem_shared>>) target(%dma_start3A_40 : memref<640x16xf32, #tpu.memory_space<hbm>>) target_semaphore(%run_scoped3A : memref<!tpu.dma_semaphore, #tpu.memory_space<semaphore_mem>>)
      %dma_wait3A = arith.constant 0 : i32
      %dma_wait3A_43 = tpu.memref_slice %arg4[%add3A_39, %dma_wait3A] : memref<20480x16xf32, #tpu.memory_space<hbm>> -> memref<640x16xf32, #tpu.memory_space<hbm>>
      %dma_wait3A_44 = arith.constant 0 : i32
      %dma_wait3A_45 = tpu.memref_slice %arg8[%mul3A_34, %dma_wait3A_44] : memref<10240x16xf32, #tpu.memory_space<vmem_shared>> -> memref<640x16xf32, #tpu.memory_space<vmem_shared>>
      tpu.wait_dma2 semaphore(%run_scoped3A : memref<!tpu.dma_semaphore, #tpu.memory_space<semaphore_mem>>) src(%dma_wait3A_45 : memref<640x16xf32, #tpu.memory_space<vmem_shared>>) dst(%dma_wait3A_43 : memref<640x16xf32, #tpu.memory_space<hbm>>)
      tpu.yield
    }) : () -> ()
    return
  }
}

#map = affine_map<(d0, d1) -> (0, 0)>
module attributes {stable_mosaic.version = 14 : i64} {
  func.func @_agg_body(%arg0: i32, %arg1: i32, %arg2: memref<10000x128xf32, #tpu.memory_space<hbm>>, %arg3: memref<2560x128xi32, #tpu.memory_space<hbm>>, %arg4: memref<2560x128xi32, #tpu.memory_space<hbm>>, %arg5: memref<80x128xi32, #tpu.memory_space<hbm>>, %arg6: memref<20480x128xf32, #tpu.memory_space<hbm>>, %arg7: memref<128xi32, #tpu.memory_space<vmem>>, %arg8: memref<128xi32, #tpu.memory_space<vmem>>, %arg9: memref<128x128xf32, #tpu.memory_space<vmem>>, %arg10: memref<10240x128xf32, #tpu.memory_space<vmem_shared>>) attributes {dimension_semantics = [#tpu.dimension_semantics<core_parallel>, #tpu.dimension_semantics<subcore_parallel>], iteration_bounds = array<i64: 2, 16>, scalar_prefetch = 0 : i64, scratch_operands = 4 : i64, tpu.core_type = #tpu.core_type<sc_vector_subcore>, window_params = [{transform_indices = #map}, {transform_indices = #map}, {transform_indices = #map}, {transform_indices = #map}, {transform_indices = #map}]} {
    %mul3A = arith.constant 2 : i32
    %mul3A_0 = arith.muli %arg1, %mul3A : i32
    %add3A = arith.addi %mul3A_0, %arg0 : i32
    %mul3A_1 = arith.constant 80 : i32
    %mul3A_2 = arith.muli %add3A, %mul3A_1 : i32
    %scan3A = arith.constant 0 : i32
    %scan3A_3 = arith.constant 0 : i32
    %scan3A_4 = arith.constant 128 : i32
    %scan3A_5 = arith.addi %scan3A_3, %scan3A_4 : i32
    %scan3A_6 = arith.constant 1 : i32
    scf.for %scan3A_42 = %scan3A_3 to %scan3A_5 step %scan3A_6  : i32 {
      %broadcast_in_dim3A = arith.constant 0.000000e+00 : f32
      %broadcast_in_dim3A_43 = vector.broadcast %broadcast_in_dim3A : f32 to vector<16xf32>
      %swap3A = arith.index_cast %scan3A_42 : i32 to index
      %swap3A_44 = arith.constant 0 : index
      %swap3A_45 = tpu.vector_load %arg9[%swap3A, %swap3A_44] {strides = array<i32>} : memref<128x128xf32, #tpu.memory_space<vmem>>, vector<1x16xf32>,
      %swap3A_46 = vector.shape_cast %swap3A_45 : vector<1x16xf32> to vector<16xf32>
      %swap3A_47 = vector.shape_cast %broadcast_in_dim3A_43 : vector<16xf32> to vector<1x16xf32>
      tpu.vector_store %arg9[%swap3A, %swap3A_44], %swap3A_47 {strides = array<i32>} : memref<128x128xf32, #tpu.memory_space<vmem>>, vector<1x16xf32>,
      %broadcast_in_dim3A_48 = arith.constant 0.000000e+00 : f32
      %broadcast_in_dim3A_49 = vector.broadcast %broadcast_in_dim3A_48 : f32 to vector<16xf32>
      %swap3A_50 = arith.index_cast %scan3A_42 : i32 to index
      %swap3A_51 = arith.constant 16 : index
      %swap3A_52 = tpu.vector_load %arg9[%swap3A_50, %swap3A_51] {strides = array<i32>} : memref<128x128xf32, #tpu.memory_space<vmem>>, vector<1x16xf32>,
      %swap3A_53 = vector.shape_cast %swap3A_52 : vector<1x16xf32> to vector<16xf32>
      %swap3A_54 = vector.shape_cast %broadcast_in_dim3A_49 : vector<16xf32> to vector<1x16xf32>
      tpu.vector_store %arg9[%swap3A_50, %swap3A_51], %swap3A_54 {strides = array<i32>} : memref<128x128xf32, #tpu.memory_space<vmem>>, vector<1x16xf32>,
      %broadcast_in_dim3A_55 = arith.constant 0.000000e+00 : f32
      %broadcast_in_dim3A_56 = vector.broadcast %broadcast_in_dim3A_55 : f32 to vector<16xf32>
      %swap3A_57 = arith.index_cast %scan3A_42 : i32 to index
      %swap3A_58 = arith.constant 32 : index
      %swap3A_59 = tpu.vector_load %arg9[%swap3A_57, %swap3A_58] {strides = array<i32>} : memref<128x128xf32, #tpu.memory_space<vmem>>, vector<1x16xf32>,
      %swap3A_60 = vector.shape_cast %swap3A_59 : vector<1x16xf32> to vector<16xf32>
      %swap3A_61 = vector.shape_cast %broadcast_in_dim3A_56 : vector<16xf32> to vector<1x16xf32>
      tpu.vector_store %arg9[%swap3A_57, %swap3A_58], %swap3A_61 {strides = array<i32>} : memref<128x128xf32, #tpu.memory_space<vmem>>, vector<1x16xf32>,
      %broadcast_in_dim3A_62 = arith.constant 0.000000e+00 : f32
      %broadcast_in_dim3A_63 = vector.broadcast %broadcast_in_dim3A_62 : f32 to vector<16xf32>
      %swap3A_64 = arith.index_cast %scan3A_42 : i32 to index
      %swap3A_65 = arith.constant 48 : index
      %swap3A_66 = tpu.vector_load %arg9[%swap3A_64, %swap3A_65] {strides = array<i32>} : memref<128x128xf32, #tpu.memory_space<vmem>>, vector<1x16xf32>,
      %swap3A_67 = vector.shape_cast %swap3A_66 : vector<1x16xf32> to vector<16xf32>
      %swap3A_68 = vector.shape_cast %broadcast_in_dim3A_63 : vector<16xf32> to vector<1x16xf32>
      tpu.vector_store %arg9[%swap3A_64, %swap3A_65], %swap3A_68 {strides = array<i32>} : memref<128x128xf32, #tpu.memory_space<vmem>>, vector<1x16xf32>,
      %broadcast_in_dim3A_69 = arith.constant 0.000000e+00 : f32
      %broadcast_in_dim3A_70 = vector.broadcast %broadcast_in_dim3A_69 : f32 to vector<16xf32>
      %swap3A_71 = arith.index_cast %scan3A_42 : i32 to index
      %swap3A_72 = arith.constant 64 : index
      %swap3A_73 = tpu.vector_load %arg9[%swap3A_71, %swap3A_72] {strides = array<i32>} : memref<128x128xf32, #tpu.memory_space<vmem>>, vector<1x16xf32>,
      %swap3A_74 = vector.shape_cast %swap3A_73 : vector<1x16xf32> to vector<16xf32>
      %swap3A_75 = vector.shape_cast %broadcast_in_dim3A_70 : vector<16xf32> to vector<1x16xf32>
      tpu.vector_store %arg9[%swap3A_71, %swap3A_72], %swap3A_75 {strides = array<i32>} : memref<128x128xf32, #tpu.memory_space<vmem>>, vector<1x16xf32>,
      %broadcast_in_dim3A_76 = arith.constant 0.000000e+00 : f32
      %broadcast_in_dim3A_77 = vector.broadcast %broadcast_in_dim3A_76 : f32 to vector<16xf32>
      %swap3A_78 = arith.index_cast %scan3A_42 : i32 to index
      %swap3A_79 = arith.constant 80 : index
      %swap3A_80 = tpu.vector_load %arg9[%swap3A_78, %swap3A_79] {strides = array<i32>} : memref<128x128xf32, #tpu.memory_space<vmem>>, vector<1x16xf32>,
      %swap3A_81 = vector.shape_cast %swap3A_80 : vector<1x16xf32> to vector<16xf32>
      %swap3A_82 = vector.shape_cast %broadcast_in_dim3A_77 : vector<16xf32> to vector<1x16xf32>
      tpu.vector_store %arg9[%swap3A_78, %swap3A_79], %swap3A_82 {strides = array<i32>} : memref<128x128xf32, #tpu.memory_space<vmem>>, vector<1x16xf32>,
      %broadcast_in_dim3A_83 = arith.constant 0.000000e+00 : f32
      %broadcast_in_dim3A_84 = vector.broadcast %broadcast_in_dim3A_83 : f32 to vector<16xf32>
      %swap3A_85 = arith.index_cast %scan3A_42 : i32 to index
      %swap3A_86 = arith.constant 96 : index
      %swap3A_87 = tpu.vector_load %arg9[%swap3A_85, %swap3A_86] {strides = array<i32>} : memref<128x128xf32, #tpu.memory_space<vmem>>, vector<1x16xf32>,
      %swap3A_88 = vector.shape_cast %swap3A_87 : vector<1x16xf32> to vector<16xf32>
      %swap3A_89 = vector.shape_cast %broadcast_in_dim3A_84 : vector<16xf32> to vector<1x16xf32>
      tpu.vector_store %arg9[%swap3A_85, %swap3A_86], %swap3A_89 {strides = array<i32>} : memref<128x128xf32, #tpu.memory_space<vmem>>, vector<1x16xf32>,
      %broadcast_in_dim3A_90 = arith.constant 0.000000e+00 : f32
      %broadcast_in_dim3A_91 = vector.broadcast %broadcast_in_dim3A_90 : f32 to vector<16xf32>
      %swap3A_92 = arith.index_cast %scan3A_42 : i32 to index
      %swap3A_93 = arith.constant 112 : index
      %swap3A_94 = tpu.vector_load %arg9[%swap3A_92, %swap3A_93] {strides = array<i32>} : memref<128x128xf32, #tpu.memory_space<vmem>>, vector<1x16xf32>,
      %swap3A_95 = vector.shape_cast %swap3A_94 : vector<1x16xf32> to vector<16xf32>
      %swap3A_96 = vector.shape_cast %broadcast_in_dim3A_91 : vector<16xf32> to vector<1x16xf32>
      tpu.vector_store %arg9[%swap3A_92, %swap3A_93], %swap3A_96 {strides = array<i32>} : memref<128x128xf32, #tpu.memory_space<vmem>>, vector<1x16xf32>,
    }
    %scan3A_7 = arith.constant 128 : i32
    %mul3A_8 = arith.constant 5 : i32
    %mul3A_9 = arith.muli %arg1, %mul3A_8 : i32
    %add3A_10 = arith.constant 0 : i32
    %add3A_11 = arith.addi %mul3A_9, %add3A_10 : i32
    "tpu.region"() ({
      %run_scoped3A = tpu.sem_alloc : memref<!tpu.dma_semaphore, #tpu.memory_space<semaphore_mem>>
      %dma_start3A = arith.constant 0 : i32
      %dma_start3A_42 = tpu.memref_slice %arg5[%add3A_11, %dma_start3A] : memref<80x128xi32, #tpu.memory_space<hbm>> -> memref<1x128xi32, #tpu.memory_space<hbm>>
      %dma_start3A_43 = tpu.memref_squeeze %dma_start3A_42 : memref<1x128xi32, #tpu.memory_space<hbm>> -> memref<128xi32, #tpu.memory_space<hbm>>
      %dma_start3A_44 = arith.constant 0 : i32
      %dma_start3A_45 = tpu.memref_slice %arg5[%add3A_11, %dma_start3A_44] : memref<80x128xi32, #tpu.memory_space<hbm>> -> memref<1x128xi32, #tpu.memory_space<hbm>>
      %dma_start3A_46 = tpu.memref_squeeze %dma_start3A_45 : memref<1x128xi32, #tpu.memory_space<hbm>> -> memref<128xi32, #tpu.memory_space<hbm>>
      tpu.enqueue_dma source(%dma_start3A_46 : memref<128xi32, #tpu.memory_space<hbm>>) target(%arg7 : memref<128xi32, #tpu.memory_space<vmem>>) target_semaphore(%run_scoped3A : memref<!tpu.dma_semaphore, #tpu.memory_space<semaphore_mem>>)
      %dma_wait3A = arith.constant 0 : i32
      %dma_wait3A_47 = tpu.memref_slice %arg5[%add3A_11, %dma_wait3A] : memref<80x128xi32, #tpu.memory_space<hbm>> -> memref<1x128xi32, #tpu.memory_space<hbm>>
      %dma_wait3A_48 = tpu.memref_squeeze %dma_wait3A_47 : memref<1x128xi32, #tpu.memory_space<hbm>> -> memref<128xi32, #tpu.memory_space<hbm>>
      %dma_wait3A_49 = arith.constant 0 : i32
      %dma_wait3A_50 = tpu.memref_slice %arg5[%add3A_11, %dma_wait3A_49] : memref<80x128xi32, #tpu.memory_space<hbm>> -> memref<1x128xi32, #tpu.memory_space<hbm>>
      %dma_wait3A_51 = tpu.memref_squeeze %dma_wait3A_50 : memref<1x128xi32, #tpu.memory_space<hbm>> -> memref<128xi32, #tpu.memory_space<hbm>>
      tpu.wait_dma2 semaphore(%run_scoped3A : memref<!tpu.dma_semaphore, #tpu.memory_space<semaphore_mem>>) src(%dma_wait3A_51 : memref<128xi32, #tpu.memory_space<hbm>>) dst(%arg7 : memref<128xi32, #tpu.memory_space<vmem>>)
      tpu.yield
    }) : () -> ()
    "tpu.region"() ({
      %run_scoped3A = tpu.sem_alloc : memref<!tpu.dma_semaphore, #tpu.memory_space<semaphore_mem>>
      %dma_start3A = arith.constant 0 : i32
      %dma_start3A_42 = arith.constant 0 : i32
      %dma_start3A_43 = tpu.memref_slice %arg10[%dma_start3A, %dma_start3A_42] : memref<10240x128xf32, #tpu.memory_space<vmem_shared>> -> memref<10240x128xf32, #tpu.memory_space<vmem_shared>>
      tpu.enqueue_indirect_dma source(%arg9 : memref<128x128xf32, #tpu.memory_space<vmem>>) target(%dma_start3A_43 : memref<10240x128xf32, #tpu.memory_space<vmem_shared>>) offsets(%arg7 : memref<128xi32, #tpu.memory_space<vmem>>) semaphore(%run_scoped3A : memref<!tpu.dma_semaphore, #tpu.memory_space<semaphore_mem>>)
      %dma_wait3A = arith.constant 0 : i32
      %dma_wait3A_44 = arith.constant 0 : i32
      %dma_wait3A_45 = tpu.memref_slice %arg10[%dma_wait3A, %dma_wait3A_44] : memref<10240x128xf32, #tpu.memory_space<vmem_shared>> -> memref<10240x128xf32, #tpu.memory_space<vmem_shared>>
      tpu.wait_indirect_dma semaphore(%run_scoped3A : memref<!tpu.dma_semaphore, #tpu.memory_space<semaphore_mem>>) src(%arg9 : memref<128x128xf32, #tpu.memory_space<vmem>>) dst(%dma_wait3A_45 : memref<10240x128xf32, #tpu.memory_space<vmem_shared>>)
      tpu.yield
    }) : () -> ()
    %mul3A_12 = arith.constant 5 : i32
    %mul3A_13 = arith.muli %arg1, %mul3A_12 : i32
    %add3A_14 = arith.constant 1 : i32
    %add3A_15 = arith.addi %mul3A_13, %add3A_14 : i32
    "tpu.region"() ({
      %run_scoped3A = tpu.sem_alloc : memref<!tpu.dma_semaphore, #tpu.memory_space<semaphore_mem>>
      %dma_start3A = arith.constant 0 : i32
      %dma_start3A_42 = tpu.memref_slice %arg5[%add3A_15, %dma_start3A] : memref<80x128xi32, #tpu.memory_space<hbm>> -> memref<1x128xi32, #tpu.memory_space<hbm>>
      %dma_start3A_43 = tpu.memref_squeeze %dma_start3A_42 : memref<1x128xi32, #tpu.memory_space<hbm>> -> memref<128xi32, #tpu.memory_space<hbm>>
      %dma_start3A_44 = arith.constant 0 : i32
      %dma_start3A_45 = tpu.memref_slice %arg5[%add3A_15, %dma_start3A_44] : memref<80x128xi32, #tpu.memory_space<hbm>> -> memref<1x128xi32, #tpu.memory_space<hbm>>
      %dma_start3A_46 = tpu.memref_squeeze %dma_start3A_45 : memref<1x128xi32, #tpu.memory_space<hbm>> -> memref<128xi32, #tpu.memory_space<hbm>>
      tpu.enqueue_dma source(%dma_start3A_46 : memref<128xi32, #tpu.memory_space<hbm>>) target(%arg7 : memref<128xi32, #tpu.memory_space<vmem>>) target_semaphore(%run_scoped3A : memref<!tpu.dma_semaphore, #tpu.memory_space<semaphore_mem>>)
      %dma_wait3A = arith.constant 0 : i32
      %dma_wait3A_47 = tpu.memref_slice %arg5[%add3A_15, %dma_wait3A] : memref<80x128xi32, #tpu.memory_space<hbm>> -> memref<1x128xi32, #tpu.memory_space<hbm>>
      %dma_wait3A_48 = tpu.memref_squeeze %dma_wait3A_47 : memref<1x128xi32, #tpu.memory_space<hbm>> -> memref<128xi32, #tpu.memory_space<hbm>>
      %dma_wait3A_49 = arith.constant 0 : i32
      %dma_wait3A_50 = tpu.memref_slice %arg5[%add3A_15, %dma_wait3A_49] : memref<80x128xi32, #tpu.memory_space<hbm>> -> memref<1x128xi32, #tpu.memory_space<hbm>>
      %dma_wait3A_51 = tpu.memref_squeeze %dma_wait3A_50 : memref<1x128xi32, #tpu.memory_space<hbm>> -> memref<128xi32, #tpu.memory_space<hbm>>
      tpu.wait_dma2 semaphore(%run_scoped3A : memref<!tpu.dma_semaphore, #tpu.memory_space<semaphore_mem>>) src(%dma_wait3A_51 : memref<128xi32, #tpu.memory_space<hbm>>) dst(%arg7 : memref<128xi32, #tpu.memory_space<vmem>>)
      tpu.yield
    }) : () -> ()
    "tpu.region"() ({
      %run_scoped3A = tpu.sem_alloc : memref<!tpu.dma_semaphore, #tpu.memory_space<semaphore_mem>>
      %dma_start3A = arith.constant 0 : i32
      %dma_start3A_42 = arith.constant 0 : i32
      %dma_start3A_43 = tpu.memref_slice %arg10[%dma_start3A, %dma_start3A_42] : memref<10240x128xf32, #tpu.memory_space<vmem_shared>> -> memref<10240x128xf32, #tpu.memory_space<vmem_shared>>
      tpu.enqueue_indirect_dma source(%arg9 : memref<128x128xf32, #tpu.memory_space<vmem>>) target(%dma_start3A_43 : memref<10240x128xf32, #tpu.memory_space<vmem_shared>>) offsets(%arg7 : memref<128xi32, #tpu.memory_space<vmem>>) semaphore(%run_scoped3A : memref<!tpu.dma_semaphore, #tpu.memory_space<semaphore_mem>>)
      %dma_wait3A = arith.constant 0 : i32
      %dma_wait3A_44 = arith.constant 0 : i32
      %dma_wait3A_45 = tpu.memref_slice %arg10[%dma_wait3A, %dma_wait3A_44] : memref<10240x128xf32, #tpu.memory_space<vmem_shared>> -> memref<10240x128xf32, #tpu.memory_space<vmem_shared>>
      tpu.wait_indirect_dma semaphore(%run_scoped3A : memref<!tpu.dma_semaphore, #tpu.memory_space<semaphore_mem>>) src(%arg9 : memref<128x128xf32, #tpu.memory_space<vmem>>) dst(%dma_wait3A_45 : memref<10240x128xf32, #tpu.memory_space<vmem_shared>>)
      tpu.yield
    }) : () -> ()
    %mul3A_16 = arith.constant 5 : i32
    %mul3A_17 = arith.muli %arg1, %mul3A_16 : i32
    %add3A_18 = arith.constant 2 : i32
    %add3A_19 = arith.addi %mul3A_17, %add3A_18 : i32
    "tpu.region"() ({
      %run_scoped3A = tpu.sem_alloc : memref<!tpu.dma_semaphore, #tpu.memory_space<semaphore_mem>>
      %dma_start3A = arith.constant 0 : i32
      %dma_start3A_42 = tpu.memref_slice %arg5[%add3A_19, %dma_start3A] : memref<80x128xi32, #tpu.memory_space<hbm>> -> memref<1x128xi32, #tpu.memory_space<hbm>>
      %dma_start3A_43 = tpu.memref_squeeze %dma_start3A_42 : memref<1x128xi32, #tpu.memory_space<hbm>> -> memref<128xi32, #tpu.memory_space<hbm>>
      %dma_start3A_44 = arith.constant 0 : i32
      %dma_start3A_45 = tpu.memref_slice %arg5[%add3A_19, %dma_start3A_44] : memref<80x128xi32, #tpu.memory_space<hbm>> -> memref<1x128xi32, #tpu.memory_space<hbm>>
      %dma_start3A_46 = tpu.memref_squeeze %dma_start3A_45 : memref<1x128xi32, #tpu.memory_space<hbm>> -> memref<128xi32, #tpu.memory_space<hbm>>
      tpu.enqueue_dma source(%dma_start3A_46 : memref<128xi32, #tpu.memory_space<hbm>>) target(%arg7 : memref<128xi32, #tpu.memory_space<vmem>>) target_semaphore(%run_scoped3A : memref<!tpu.dma_semaphore, #tpu.memory_space<semaphore_mem>>)
      %dma_wait3A = arith.constant 0 : i32
      %dma_wait3A_47 = tpu.memref_slice %arg5[%add3A_19, %dma_wait3A] : memref<80x128xi32, #tpu.memory_space<hbm>> -> memref<1x128xi32, #tpu.memory_space<hbm>>
      %dma_wait3A_48 = tpu.memref_squeeze %dma_wait3A_47 : memref<1x128xi32, #tpu.memory_space<hbm>> -> memref<128xi32, #tpu.memory_space<hbm>>
      %dma_wait3A_49 = arith.constant 0 : i32
      %dma_wait3A_50 = tpu.memref_slice %arg5[%add3A_19, %dma_wait3A_49] : memref<80x128xi32, #tpu.memory_space<hbm>> -> memref<1x128xi32, #tpu.memory_space<hbm>>
      %dma_wait3A_51 = tpu.memref_squeeze %dma_wait3A_50 : memref<1x128xi32, #tpu.memory_space<hbm>> -> memref<128xi32, #tpu.memory_space<hbm>>
      tpu.wait_dma2 semaphore(%run_scoped3A : memref<!tpu.dma_semaphore, #tpu.memory_space<semaphore_mem>>) src(%dma_wait3A_51 : memref<128xi32, #tpu.memory_space<hbm>>) dst(%arg7 : memref<128xi32, #tpu.memory_space<vmem>>)
      tpu.yield
    }) : () -> ()
    "tpu.region"() ({
      %run_scoped3A = tpu.sem_alloc : memref<!tpu.dma_semaphore, #tpu.memory_space<semaphore_mem>>
      %dma_start3A = arith.constant 0 : i32
      %dma_start3A_42 = arith.constant 0 : i32
      %dma_start3A_43 = tpu.memref_slice %arg10[%dma_start3A, %dma_start3A_42] : memref<10240x128xf32, #tpu.memory_space<vmem_shared>> -> memref<10240x128xf32, #tpu.memory_space<vmem_shared>>
      tpu.enqueue_indirect_dma source(%arg9 : memref<128x128xf32, #tpu.memory_space<vmem>>) target(%dma_start3A_43 : memref<10240x128xf32, #tpu.memory_space<vmem_shared>>) offsets(%arg7 : memref<128xi32, #tpu.memory_space<vmem>>) semaphore(%run_scoped3A : memref<!tpu.dma_semaphore, #tpu.memory_space<semaphore_mem>>)
      %dma_wait3A = arith.constant 0 : i32
      %dma_wait3A_44 = arith.constant 0 : i32
      %dma_wait3A_45 = tpu.memref_slice %arg10[%dma_wait3A, %dma_wait3A_44] : memref<10240x128xf32, #tpu.memory_space<vmem_shared>> -> memref<10240x128xf32, #tpu.memory_space<vmem_shared>>
      tpu.wait_indirect_dma semaphore(%run_scoped3A : memref<!tpu.dma_semaphore, #tpu.memory_space<semaphore_mem>>) src(%arg9 : memref<128x128xf32, #tpu.memory_space<vmem>>) dst(%dma_wait3A_45 : memref<10240x128xf32, #tpu.memory_space<vmem_shared>>)
      tpu.yield
    }) : () -> ()
    %mul3A_20 = arith.constant 5 : i32
    %mul3A_21 = arith.muli %arg1, %mul3A_20 : i32
    %add3A_22 = arith.constant 3 : i32
    %add3A_23 = arith.addi %mul3A_21, %add3A_22 : i32
    "tpu.region"() ({
      %run_scoped3A = tpu.sem_alloc : memref<!tpu.dma_semaphore, #tpu.memory_space<semaphore_mem>>
      %dma_start3A = arith.constant 0 : i32
      %dma_start3A_42 = tpu.memref_slice %arg5[%add3A_23, %dma_start3A] : memref<80x128xi32, #tpu.memory_space<hbm>> -> memref<1x128xi32, #tpu.memory_space<hbm>>
      %dma_start3A_43 = tpu.memref_squeeze %dma_start3A_42 : memref<1x128xi32, #tpu.memory_space<hbm>> -> memref<128xi32, #tpu.memory_space<hbm>>
      %dma_start3A_44 = arith.constant 0 : i32
      %dma_start3A_45 = tpu.memref_slice %arg5[%add3A_23, %dma_start3A_44] : memref<80x128xi32, #tpu.memory_space<hbm>> -> memref<1x128xi32, #tpu.memory_space<hbm>>
      %dma_start3A_46 = tpu.memref_squeeze %dma_start3A_45 : memref<1x128xi32, #tpu.memory_space<hbm>> -> memref<128xi32, #tpu.memory_space<hbm>>
      tpu.enqueue_dma source(%dma_start3A_46 : memref<128xi32, #tpu.memory_space<hbm>>) target(%arg7 : memref<128xi32, #tpu.memory_space<vmem>>) target_semaphore(%run_scoped3A : memref<!tpu.dma_semaphore, #tpu.memory_space<semaphore_mem>>)
      %dma_wait3A = arith.constant 0 : i32
      %dma_wait3A_47 = tpu.memref_slice %arg5[%add3A_23, %dma_wait3A] : memref<80x128xi32, #tpu.memory_space<hbm>> -> memref<1x128xi32, #tpu.memory_space<hbm>>
      %dma_wait3A_48 = tpu.memref_squeeze %dma_wait3A_47 : memref<1x128xi32, #tpu.memory_space<hbm>> -> memref<128xi32, #tpu.memory_space<hbm>>
      %dma_wait3A_49 = arith.constant 0 : i32
      %dma_wait3A_50 = tpu.memref_slice %arg5[%add3A_23, %dma_wait3A_49] : memref<80x128xi32, #tpu.memory_space<hbm>> -> memref<1x128xi32, #tpu.memory_space<hbm>>
      %dma_wait3A_51 = tpu.memref_squeeze %dma_wait3A_50 : memref<1x128xi32, #tpu.memory_space<hbm>> -> memref<128xi32, #tpu.memory_space<hbm>>
      tpu.wait_dma2 semaphore(%run_scoped3A : memref<!tpu.dma_semaphore, #tpu.memory_space<semaphore_mem>>) src(%dma_wait3A_51 : memref<128xi32, #tpu.memory_space<hbm>>) dst(%arg7 : memref<128xi32, #tpu.memory_space<vmem>>)
      tpu.yield
    }) : () -> ()
    "tpu.region"() ({
      %run_scoped3A = tpu.sem_alloc : memref<!tpu.dma_semaphore, #tpu.memory_space<semaphore_mem>>
      %dma_start3A = arith.constant 0 : i32
      %dma_start3A_42 = arith.constant 0 : i32
      %dma_start3A_43 = tpu.memref_slice %arg10[%dma_start3A, %dma_start3A_42] : memref<10240x128xf32, #tpu.memory_space<vmem_shared>> -> memref<10240x128xf32, #tpu.memory_space<vmem_shared>>
      tpu.enqueue_indirect_dma source(%arg9 : memref<128x128xf32, #tpu.memory_space<vmem>>) target(%dma_start3A_43 : memref<10240x128xf32, #tpu.memory_space<vmem_shared>>) offsets(%arg7 : memref<128xi32, #tpu.memory_space<vmem>>) semaphore(%run_scoped3A : memref<!tpu.dma_semaphore, #tpu.memory_space<semaphore_mem>>)
      %dma_wait3A = arith.constant 0 : i32
      %dma_wait3A_44 = arith.constant 0 : i32
      %dma_wait3A_45 = tpu.memref_slice %arg10[%dma_wait3A, %dma_wait3A_44] : memref<10240x128xf32, #tpu.memory_space<vmem_shared>> -> memref<10240x128xf32, #tpu.memory_space<vmem_shared>>
      tpu.wait_indirect_dma semaphore(%run_scoped3A : memref<!tpu.dma_semaphore, #tpu.memory_space<semaphore_mem>>) src(%arg9 : memref<128x128xf32, #tpu.memory_space<vmem>>) dst(%dma_wait3A_45 : memref<10240x128xf32, #tpu.memory_space<vmem_shared>>)
      tpu.yield
    }) : () -> ()
    %mul3A_24 = arith.constant 5 : i32
    %mul3A_25 = arith.muli %arg1, %mul3A_24 : i32
    %add3A_26 = arith.constant 4 : i32
    %add3A_27 = arith.addi %mul3A_25, %add3A_26 : i32
    "tpu.region"() ({
      %run_scoped3A = tpu.sem_alloc : memref<!tpu.dma_semaphore, #tpu.memory_space<semaphore_mem>>
      %dma_start3A = arith.constant 0 : i32
      %dma_start3A_42 = tpu.memref_slice %arg5[%add3A_27, %dma_start3A] : memref<80x128xi32, #tpu.memory_space<hbm>> -> memref<1x128xi32, #tpu.memory_space<hbm>>
      %dma_start3A_43 = tpu.memref_squeeze %dma_start3A_42 : memref<1x128xi32, #tpu.memory_space<hbm>> -> memref<128xi32, #tpu.memory_space<hbm>>
      %dma_start3A_44 = arith.constant 0 : i32
      %dma_start3A_45 = tpu.memref_slice %arg5[%add3A_27, %dma_start3A_44] : memref<80x128xi32, #tpu.memory_space<hbm>> -> memref<1x128xi32, #tpu.memory_space<hbm>>
      %dma_start3A_46 = tpu.memref_squeeze %dma_start3A_45 : memref<1x128xi32, #tpu.memory_space<hbm>> -> memref<128xi32, #tpu.memory_space<hbm>>
      tpu.enqueue_dma source(%dma_start3A_46 : memref<128xi32, #tpu.memory_space<hbm>>) target(%arg7 : memref<128xi32, #tpu.memory_space<vmem>>) target_semaphore(%run_scoped3A : memref<!tpu.dma_semaphore, #tpu.memory_space<semaphore_mem>>)
      %dma_wait3A = arith.constant 0 : i32
      %dma_wait3A_47 = tpu.memref_slice %arg5[%add3A_27, %dma_wait3A] : memref<80x128xi32, #tpu.memory_space<hbm>> -> memref<1x128xi32, #tpu.memory_space<hbm>>
      %dma_wait3A_48 = tpu.memref_squeeze %dma_wait3A_47 : memref<1x128xi32, #tpu.memory_space<hbm>> -> memref<128xi32, #tpu.memory_space<hbm>>
      %dma_wait3A_49 = arith.constant 0 : i32
      %dma_wait3A_50 = tpu.memref_slice %arg5[%add3A_27, %dma_wait3A_49] : memref<80x128xi32, #tpu.memory_space<hbm>> -> memref<1x128xi32, #tpu.memory_space<hbm>>
      %dma_wait3A_51 = tpu.memref_squeeze %dma_wait3A_50 : memref<1x128xi32, #tpu.memory_space<hbm>> -> memref<128xi32, #tpu.memory_space<hbm>>
      tpu.wait_dma2 semaphore(%run_scoped3A : memref<!tpu.dma_semaphore, #tpu.memory_space<semaphore_mem>>) src(%dma_wait3A_51 : memref<128xi32, #tpu.memory_space<hbm>>) dst(%arg7 : memref<128xi32, #tpu.memory_space<vmem>>)
      tpu.yield
    }) : () -> ()
    "tpu.region"() ({
      %run_scoped3A = tpu.sem_alloc : memref<!tpu.dma_semaphore, #tpu.memory_space<semaphore_mem>>
      %dma_start3A = arith.constant 0 : i32
      %dma_start3A_42 = arith.constant 0 : i32
      %dma_start3A_43 = tpu.memref_slice %arg10[%dma_start3A, %dma_start3A_42] : memref<10240x128xf32, #tpu.memory_space<vmem_shared>> -> memref<10240x128xf32, #tpu.memory_space<vmem_shared>>
      tpu.enqueue_indirect_dma source(%arg9 : memref<128x128xf32, #tpu.memory_space<vmem>>) target(%dma_start3A_43 : memref<10240x128xf32, #tpu.memory_space<vmem_shared>>) offsets(%arg7 : memref<128xi32, #tpu.memory_space<vmem>>) semaphore(%run_scoped3A : memref<!tpu.dma_semaphore, #tpu.memory_space<semaphore_mem>>)
      %dma_wait3A = arith.constant 0 : i32
      %dma_wait3A_44 = arith.constant 0 : i32
      %dma_wait3A_45 = tpu.memref_slice %arg10[%dma_wait3A, %dma_wait3A_44] : memref<10240x128xf32, #tpu.memory_space<vmem_shared>> -> memref<10240x128xf32, #tpu.memory_space<vmem_shared>>
      tpu.wait_indirect_dma semaphore(%run_scoped3A : memref<!tpu.dma_semaphore, #tpu.memory_space<semaphore_mem>>) src(%arg9 : memref<128x128xf32, #tpu.memory_space<vmem>>) dst(%dma_wait3A_45 : memref<10240x128xf32, #tpu.memory_space<vmem_shared>>)
      tpu.yield
    }) : () -> ()
    %barrier3A = arith.constant 0 : index
    tpu.barrier barrier_id(%barrier3A)
    %scan3A_28 = arith.constant 0 : i32
    %scan3A_29 = arith.constant 0 : i32
    %scan3A_30 = arith.constant 80 : i32
    %scan3A_31 = arith.addi %scan3A_29, %scan3A_30 : i32
    %scan3A_32 = arith.constant 1 : i32
    scf.for %scan3A_42 = %scan3A_29 to %scan3A_31 step %scan3A_32  : i32 {
      %add3A_43 = arith.addi %mul3A_2, %scan3A_42 : i32
      "tpu.region"() ({
        %run_scoped3A = tpu.sem_alloc : memref<!tpu.dma_semaphore, #tpu.memory_space<semaphore_mem>>
        %dma_start3A = arith.constant 0 : i32
        %dma_start3A_45 = tpu.memref_slice %arg3[%add3A_43, %dma_start3A] : memref<2560x128xi32, #tpu.memory_space<hbm>> -> memref<1x128xi32, #tpu.memory_space<hbm>>
        %dma_start3A_46 = tpu.memref_squeeze %dma_start3A_45 : memref<1x128xi32, #tpu.memory_space<hbm>> -> memref<128xi32, #tpu.memory_space<hbm>>
        %dma_start3A_47 = arith.constant 0 : i32
        %dma_start3A_48 = tpu.memref_slice %arg3[%add3A_43, %dma_start3A_47] : memref<2560x128xi32, #tpu.memory_space<hbm>> -> memref<1x128xi32, #tpu.memory_space<hbm>>
        %dma_start3A_49 = tpu.memref_squeeze %dma_start3A_48 : memref<1x128xi32, #tpu.memory_space<hbm>> -> memref<128xi32, #tpu.memory_space<hbm>>
        tpu.enqueue_dma source(%dma_start3A_49 : memref<128xi32, #tpu.memory_space<hbm>>) target(%arg7 : memref<128xi32, #tpu.memory_space<vmem>>) target_semaphore(%run_scoped3A : memref<!tpu.dma_semaphore, #tpu.memory_space<semaphore_mem>>)
        %dma_wait3A = arith.constant 0 : i32
        %dma_wait3A_50 = tpu.memref_slice %arg3[%add3A_43, %dma_wait3A] : memref<2560x128xi32, #tpu.memory_space<hbm>> -> memref<1x128xi32, #tpu.memory_space<hbm>>
        %dma_wait3A_51 = tpu.memref_squeeze %dma_wait3A_50 : memref<1x128xi32, #tpu.memory_space<hbm>> -> memref<128xi32, #tpu.memory_space<hbm>>
        %dma_wait3A_52 = arith.constant 0 : i32
        %dma_wait3A_53 = tpu.memref_slice %arg3[%add3A_43, %dma_wait3A_52] : memref<2560x128xi32, #tpu.memory_space<hbm>> -> memref<1x128xi32, #tpu.memory_space<hbm>>
        %dma_wait3A_54 = tpu.memref_squeeze %dma_wait3A_53 : memref<1x128xi32, #tpu.memory_space<hbm>> -> memref<128xi32, #tpu.memory_space<hbm>>
        tpu.wait_dma2 semaphore(%run_scoped3A : memref<!tpu.dma_semaphore, #tpu.memory_space<semaphore_mem>>) src(%dma_wait3A_54 : memref<128xi32, #tpu.memory_space<hbm>>) dst(%arg7 : memref<128xi32, #tpu.memory_space<vmem>>)
        tpu.yield
      }) : () -> ()
      %add3A_44 = arith.addi %mul3A_2, %scan3A_42 : i32
      "tpu.region"() ({
        %run_scoped3A = tpu.sem_alloc : memref<!tpu.dma_semaphore, #tpu.memory_space<semaphore_mem>>
        %dma_start3A = arith.constant 0 : i32
        %dma_start3A_45 = tpu.memref_slice %arg4[%add3A_44, %dma_start3A] : memref<2560x128xi32, #tpu.memory_space<hbm>> -> memref<1x128xi32, #tpu.memory_space<hbm>>
        %dma_start3A_46 = tpu.memref_squeeze %dma_start3A_45 : memref<1x128xi32, #tpu.memory_space<hbm>> -> memref<128xi32, #tpu.memory_space<hbm>>
        %dma_start3A_47 = arith.constant 0 : i32
        %dma_start3A_48 = tpu.memref_slice %arg4[%add3A_44, %dma_start3A_47] : memref<2560x128xi32, #tpu.memory_space<hbm>> -> memref<1x128xi32, #tpu.memory_space<hbm>>
        %dma_start3A_49 = tpu.memref_squeeze %dma_start3A_48 : memref<1x128xi32, #tpu.memory_space<hbm>> -> memref<128xi32, #tpu.memory_space<hbm>>
        tpu.enqueue_dma source(%dma_start3A_49 : memref<128xi32, #tpu.memory_space<hbm>>) target(%arg8 : memref<128xi32, #tpu.memory_space<vmem>>) target_semaphore(%run_scoped3A : memref<!tpu.dma_semaphore, #tpu.memory_space<semaphore_mem>>)
        %dma_wait3A = arith.constant 0 : i32
        %dma_wait3A_50 = tpu.memref_slice %arg4[%add3A_44, %dma_wait3A] : memref<2560x128xi32, #tpu.memory_space<hbm>> -> memref<1x128xi32, #tpu.memory_space<hbm>>
        %dma_wait3A_51 = tpu.memref_squeeze %dma_wait3A_50 : memref<1x128xi32, #tpu.memory_space<hbm>> -> memref<128xi32, #tpu.memory_space<hbm>>
        %dma_wait3A_52 = arith.constant 0 : i32
        %dma_wait3A_53 = tpu.memref_slice %arg4[%add3A_44, %dma_wait3A_52] : memref<2560x128xi32, #tpu.memory_space<hbm>> -> memref<1x128xi32, #tpu.memory_space<hbm>>
        %dma_wait3A_54 = tpu.memref_squeeze %dma_wait3A_53 : memref<1x128xi32, #tpu.memory_space<hbm>> -> memref<128xi32, #tpu.memory_space<hbm>>
        tpu.wait_dma2 semaphore(%run_scoped3A : memref<!tpu.dma_semaphore, #tpu.memory_space<semaphore_mem>>) src(%dma_wait3A_54 : memref<128xi32, #tpu.memory_space<hbm>>) dst(%arg8 : memref<128xi32, #tpu.memory_space<vmem>>)
        tpu.yield
      }) : () -> ()
      "tpu.region"() ({
        %run_scoped3A = tpu.sem_alloc : memref<!tpu.dma_semaphore, #tpu.memory_space<semaphore_mem>>
        %dma_start3A = arith.constant 0 : i32
        %dma_start3A_45 = arith.constant 0 : i32
        %dma_start3A_46 = tpu.memref_slice %arg2[%dma_start3A, %dma_start3A_45] : memref<10000x128xf32, #tpu.memory_space<hbm>> -> memref<10000x128xf32, #tpu.memory_space<hbm>>
        tpu.enqueue_indirect_dma source(%dma_start3A_46 : memref<10000x128xf32, #tpu.memory_space<hbm>>) target(%arg9 : memref<128x128xf32, #tpu.memory_space<vmem>>) offsets(%arg7 : memref<128xi32, #tpu.memory_space<vmem>>) semaphore(%run_scoped3A : memref<!tpu.dma_semaphore, #tpu.memory_space<semaphore_mem>>)
        %dma_wait3A = arith.constant 0 : i32
        %dma_wait3A_47 = arith.constant 0 : i32
        %dma_wait3A_48 = tpu.memref_slice %arg2[%dma_wait3A, %dma_wait3A_47] : memref<10000x128xf32, #tpu.memory_space<hbm>> -> memref<10000x128xf32, #tpu.memory_space<hbm>>
        tpu.wait_indirect_dma semaphore(%run_scoped3A : memref<!tpu.dma_semaphore, #tpu.memory_space<semaphore_mem>>) src(%dma_wait3A_48 : memref<10000x128xf32, #tpu.memory_space<hbm>>) dst(%arg9 : memref<128x128xf32, #tpu.memory_space<vmem>>)
        tpu.yield
      }) : () -> ()
      "tpu.region"() ({
        %run_scoped3A = tpu.sem_alloc : memref<!tpu.dma_semaphore, #tpu.memory_space<semaphore_mem>>
        %dma_start3A = arith.constant 0 : i32
        %dma_start3A_45 = arith.constant 0 : i32
        %dma_start3A_46 = tpu.memref_slice %arg10[%dma_start3A, %dma_start3A_45] : memref<10240x128xf32, #tpu.memory_space<vmem_shared>> -> memref<10240x128xf32, #tpu.memory_space<vmem_shared>>
        tpu.enqueue_indirect_dma source(%arg9 : memref<128x128xf32, #tpu.memory_space<vmem>>) target(%dma_start3A_46 : memref<10240x128xf32, #tpu.memory_space<vmem_shared>>) offsets(%arg8 : memref<128xi32, #tpu.memory_space<vmem>>) semaphore(%run_scoped3A : memref<!tpu.dma_semaphore, #tpu.memory_space<semaphore_mem>>) {add = true}
        %dma_wait3A = arith.constant 0 : i32
        %dma_wait3A_47 = arith.constant 0 : i32
        %dma_wait3A_48 = tpu.memref_slice %arg10[%dma_wait3A, %dma_wait3A_47] : memref<10240x128xf32, #tpu.memory_space<vmem_shared>> -> memref<10240x128xf32, #tpu.memory_space<vmem_shared>>
        tpu.wait_indirect_dma semaphore(%run_scoped3A : memref<!tpu.dma_semaphore, #tpu.memory_space<semaphore_mem>>) src(%arg9 : memref<128x128xf32, #tpu.memory_space<vmem>>) dst(%dma_wait3A_48 : memref<10240x128xf32, #tpu.memory_space<vmem_shared>>)
        tpu.yield
      }) : () -> ()
    }
    %scan3A_33 = arith.constant 80 : i32
    %barrier3A_34 = arith.constant 0 : index
    tpu.barrier barrier_id(%barrier3A_34)
    %mul3A_35 = arith.constant 640 : i32
    %mul3A_36 = arith.muli %arg1, %mul3A_35 : i32
    %mul3A_37 = arith.constant 10240 : i32
    %mul3A_38 = arith.muli %arg0, %mul3A_37 : i32
    %mul3A_39 = arith.constant 640 : i32
    %mul3A_40 = arith.muli %arg1, %mul3A_39 : i32
    %add3A_41 = arith.addi %mul3A_38, %mul3A_40 : i32
    "tpu.region"() ({
      %run_scoped3A = tpu.sem_alloc : memref<!tpu.dma_semaphore, #tpu.memory_space<semaphore_mem>>
      %dma_start3A = arith.constant 0 : i32
      %dma_start3A_42 = tpu.memref_slice %arg6[%add3A_41, %dma_start3A] : memref<20480x128xf32, #tpu.memory_space<hbm>> -> memref<640x128xf32, #tpu.memory_space<hbm>>
      %dma_start3A_43 = arith.constant 0 : i32
      %dma_start3A_44 = tpu.memref_slice %arg10[%mul3A_36, %dma_start3A_43] : memref<10240x128xf32, #tpu.memory_space<vmem_shared>> -> memref<640x128xf32, #tpu.memory_space<vmem_shared>>
      tpu.enqueue_dma source(%dma_start3A_44 : memref<640x128xf32, #tpu.memory_space<vmem_shared>>) target(%dma_start3A_42 : memref<640x128xf32, #tpu.memory_space<hbm>>) target_semaphore(%run_scoped3A : memref<!tpu.dma_semaphore, #tpu.memory_space<semaphore_mem>>)
      %dma_wait3A = arith.constant 0 : i32
      %dma_wait3A_45 = tpu.memref_slice %arg6[%add3A_41, %dma_wait3A] : memref<20480x128xf32, #tpu.memory_space<hbm>> -> memref<640x128xf32, #tpu.memory_space<hbm>>
      %dma_wait3A_46 = arith.constant 0 : i32
      %dma_wait3A_47 = tpu.memref_slice %arg10[%mul3A_36, %dma_wait3A_46] : memref<10240x128xf32, #tpu.memory_space<vmem_shared>> -> memref<640x128xf32, #tpu.memory_space<vmem_shared>>
      tpu.wait_dma2 semaphore(%run_scoped3A : memref<!tpu.dma_semaphore, #tpu.memory_space<semaphore_mem>>) src(%dma_wait3A_47 : memref<640x128xf32, #tpu.memory_space<vmem_shared>>) dst(%dma_wait3A_45 : memref<640x128xf32, #tpu.memory_space<hbm>>)
      tpu.yield
    }) : () -> ()
    return
  }
}

module attributes {stable_mosaic.version = 14 : i64} {
  func.func @_mm_body(%arg0: i32, %arg1: memref<1000x128xf32, #tpu.memory_space<vmem>>, %arg2: memref<128x128xf32, #tpu.memory_space<vmem>>, %arg3: memref<1000x128xf32, #tpu.memory_space<vmem>>) attributes {dimension_semantics = [#tpu.dimension_semantics<arbitrary>], iteration_bounds = array<i64: 10>, scalar_prefetch = 0 : i64, scratch_operands = 0 : i64, tpu.core_type = #tpu.core_type<tc>, window_params = [{transform_indices = @transform_0, window_bounds = array<i64: 1000, 128>}, {pipeline_mode = #tpu.pipeline_mode<synchronous>, transform_indices = @transform_1, window_bounds = array<i64: 128, 128>}, {transform_indices = @transform_2, window_bounds = array<i64: 1000, 128>}]} {
    %get3A = arith.constant 0 : index
    %get3A_0 = arith.constant 0 : index
    %get3A_1 = vector.load %arg1[%get3A, %get3A_0] : memref<1000x128xf32, #tpu.memory_space<vmem>>, vector<1000x128xf32>
    %get3A_2 = arith.constant 0 : index
    %get3A_3 = arith.constant 0 : index
    %get3A_4 = vector.load %arg2[%get3A_2, %get3A_3] : memref<128x128xf32, #tpu.memory_space<vmem>>, vector<128x128xf32>
    %dot_general3A = arith.constant dense<0.000000e+00> : vector<1000x128xf32>
    %dot_general3A_5 = tpu.matmul %get3A_1, %get3A_4, %dot_general3A {dimension_numbers = #tpu.dot_dimension_numbers<[1], [0], [0], [1], [0, 0, 1, 1], [], []>, transpose_lhs_hint = false} : vector<1000x128xf32>, vector<128x128xf32>, vector<1000x128xf32> -> vector<1000x128xf32>
    %swap3A = arith.constant 0 : index
    %swap3A_6 = arith.constant 0 : index
    %swap3A_7 = vector.load %arg3[%swap3A, %swap3A_6] : memref<1000x128xf32, #tpu.memory_space<vmem>>, vector<1000x128xf32>
    tpu.vector_store %arg3[%swap3A, %swap3A_6], %dot_general3A_5 {strides = array<i32>} : memref<1000x128xf32, #tpu.memory_space<vmem>>, vector<1000x128xf32>,
    return
  }
  func.func @transform_0(%arg0: i32) -> (i32, i32) {
    %c0_i32 = arith.constant 0 : i32
    %c0_i32_0 = arith.constant 0 : i32
    return %arg0, %c0_i32 : i32, i32
  }
  func.func @transform_1(%arg0: i32) -> (i32, i32) {
    %c0_i32 = arith.constant 0 : i32
    %c0_i32_0 = arith.constant 0 : i32
    %c0_i32_1 = arith.constant 0 : i32
    return %c0_i32, %c0_i32_0 : i32, i32
  }
  func.func @transform_2(%arg0: i32) -> (i32, i32) {
    %c0_i32 = arith.constant 0 : i32
    %c0_i32_0 = arith.constant 0 : i32
    return %arg0, %c0_i32 : i32, i32
  }
}

module attributes {stable_mosaic.version = 14 : i64} {
  func.func @_scale_body(%arg0: i32, %arg1: memref<2x1000x16xf32, #tpu.memory_space<vmem>>, %arg2: memref<1000x128xf32, #tpu.memory_space<vmem>>, %arg3: memref<1000x128xf32, #tpu.memory_space<vmem>>, %arg4: memref<1000x128xf32, #tpu.memory_space<vmem>>) attributes {dimension_semantics = [#tpu.dimension_semantics<arbitrary>], iteration_bounds = array<i64: 10>, scalar_prefetch = 0 : i64, scratch_operands = 0 : i64, tpu.core_type = #tpu.core_type<tc>, window_params = [{transform_indices = @transform_0, window_bounds = array<i64: 2, 1000, 16>}, {transform_indices = @transform_1, window_bounds = array<i64: 1000, 128>}, {transform_indices = @transform_2, window_bounds = array<i64: 1000, 128>}, {transform_indices = @transform_3, window_bounds = array<i64: 1000, 128>}]} {
    %get3A = arith.constant 0 : index
    %get3A_0 = arith.constant 0 : index
    %get3A_1 = arith.constant 0 : index
    %get3A_2 = vector.load %arg1[%get3A, %get3A_0, %get3A_1] : memref<2x1000x16xf32, #tpu.memory_space<vmem>>, vector<1x1000x16xf32>
    %get3A_3 = vector.shape_cast %get3A_2 : vector<1x1000x16xf32> to vector<1000x16xf32>
    %get3A_4 = arith.constant 1 : index
    %get3A_5 = arith.constant 0 : index
    %get3A_6 = arith.constant 0 : index
    %get3A_7 = vector.load %arg1[%get3A_4, %get3A_5, %get3A_6] : memref<2x1000x16xf32, #tpu.memory_space<vmem>>, vector<1x1000x16xf32>
    %get3A_8 = vector.shape_cast %get3A_7 : vector<1x1000x16xf32> to vector<1000x16xf32>
    %add3A = arith.addf %get3A_3, %get3A_8 : vector<1000x16xf32>
    %broadcast_in_dim3A = arith.constant 1.000000e+00 : f32
    %broadcast_in_dim3A_9 = vector.broadcast %broadcast_in_dim3A : f32 to vector<16x128xf32>
    %dot_general3A = arith.constant dense<0.000000e+00> : vector<1000x128xf32>
    %dot_general3A_10 = tpu.matmul %add3A, %broadcast_in_dim3A_9, %dot_general3A {dimension_numbers = #tpu.dot_dimension_numbers<[1], [0], [0], [1], [0, 0, 1, 1], [], []>, transpose_lhs_hint = false} : vector<1000x16xf32>, vector<16x128xf32>, vector<1000x128xf32> -> vector<1000x128xf32>
    %mul3A = arith.constant 6.250000e-02 : f32
    %mul3A_11 = vector.broadcast %mul3A : f32 to vector<1000x128xf32>
    %mul3A_12 = arith.mulf %dot_general3A_10, %mul3A_11 : vector<1000x128xf32>
    %add3A_13 = arith.constant 1.000000e+00 : f32
    %add3A_14 = vector.broadcast %add3A_13 : f32 to vector<1000x128xf32>
    %add3A_15 = arith.addf %mul3A_12, %add3A_14 : vector<1000x128xf32>
    %rsqrt3A = math.rsqrt %add3A_15 : vector<1000x128xf32>
    %swap3A = arith.constant 0 : index
    %swap3A_16 = arith.constant 0 : index
    %swap3A_17 = vector.load %arg4[%swap3A, %swap3A_16] : memref<1000x128xf32, #tpu.memory_space<vmem>>, vector<1000x128xf32>
    tpu.vector_store %arg4[%swap3A, %swap3A_16], %rsqrt3A {strides = array<i32>} : memref<1000x128xf32, #tpu.memory_space<vmem>>, vector<1000x128xf32>,
    %get3A_18 = arith.constant 0 : index
    %get3A_19 = arith.constant 0 : index
    %get3A_20 = vector.load %arg2[%get3A_18, %get3A_19] : memref<1000x128xf32, #tpu.memory_space<vmem>>, vector<1000x128xf32>
    %mul3A_21 = arith.mulf %rsqrt3A, %get3A_20 : vector<1000x128xf32>
    %swap3A_22 = arith.constant 0 : index
    %swap3A_23 = arith.constant 0 : index
    %swap3A_24 = vector.load %arg3[%swap3A_22, %swap3A_23] : memref<1000x128xf32, #tpu.memory_space<vmem>>, vector<1000x128xf32>
    tpu.vector_store %arg3[%swap3A_22, %swap3A_23], %mul3A_21 {strides = array<i32>} : memref<1000x128xf32, #tpu.memory_space<vmem>>, vector<1000x128xf32>,
    return
  }
  func.func @transform_0(%arg0: i32) -> (i32, i32, i32) {
    %c0_i32 = arith.constant 0 : i32
    %c0_i32_0 = arith.constant 0 : i32
    %c0_i32_1 = arith.constant 0 : i32
    return %c0_i32, %arg0, %c0_i32_0 : i32, i32, i32
  }
  func.func @transform_1(%arg0: i32) -> (i32, i32) {
    %c0_i32 = arith.constant 0 : i32
    %c0_i32_0 = arith.constant 0 : i32
    return %arg0, %c0_i32 : i32, i32
  }
  func.func @transform_2(%arg0: i32) -> (i32, i32) {
    %c0_i32 = arith.constant 0 : i32
    %c0_i32_0 = arith.constant 0 : i32
    return %arg0, %c0_i32 : i32, i32
  }
  func.func @transform_3(%arg0: i32) -> (i32, i32) {
    %c0_i32 = arith.constant 0 : i32
    %c0_i32_0 = arith.constant 0 : i32
    return %arg0, %c0_i32 : i32, i32
  }
}

module attributes {stable_mosaic.version = 14 : i64} {
  func.func @_comb_mm_body(%arg0: i32, %arg1: memref<2x1000x128xf32, #tpu.memory_space<vmem>>, %arg2: memref<1000x128xf32, #tpu.memory_space<vmem>>, %arg3: memref<1000x128xf32, #tpu.memory_space<vmem>>, %arg4: memref<1x128xf32, #tpu.memory_space<vmem>>, %arg5: memref<128x128xf32, #tpu.memory_space<vmem>>, %arg6: memref<1000x128xf32, #tpu.memory_space<vmem>>) attributes {dimension_semantics = [#tpu.dimension_semantics<arbitrary>], iteration_bounds = array<i64: 10>, scalar_prefetch = 0 : i64, scratch_operands = 0 : i64, tpu.core_type = #tpu.core_type<tc>, window_params = [{transform_indices = @transform_0, window_bounds = array<i64: 2, 1000, 128>}, {transform_indices = @transform_1, window_bounds = array<i64: 1000, 128>}, {transform_indices = @transform_2, window_bounds = array<i64: 1000, 128>}, {pipeline_mode = #tpu.pipeline_mode<synchronous>, transform_indices = @transform_3, window_bounds = array<i64: 1, 128>}, {pipeline_mode = #tpu.pipeline_mode<synchronous>, transform_indices = @transform_4, window_bounds = array<i64: 128, 128>}, {transform_indices = @transform_5, window_bounds = array<i64: 1000, 128>}]} {
    %get3A = arith.constant 0 : index
    %get3A_0 = arith.constant 0 : index
    %get3A_1 = arith.constant 0 : index
    %get3A_2 = vector.load %arg1[%get3A, %get3A_0, %get3A_1] : memref<2x1000x128xf32, #tpu.memory_space<vmem>>, vector<1x1000x128xf32>
    %get3A_3 = vector.shape_cast %get3A_2 : vector<1x1000x128xf32> to vector<1000x128xf32>
    %get3A_4 = arith.constant 1 : index
    %get3A_5 = arith.constant 0 : index
    %get3A_6 = arith.constant 0 : index
    %get3A_7 = vector.load %arg1[%get3A_4, %get3A_5, %get3A_6] : memref<2x1000x128xf32, #tpu.memory_space<vmem>>, vector<1x1000x128xf32>
    %get3A_8 = vector.shape_cast %get3A_7 : vector<1x1000x128xf32> to vector<1000x128xf32>
    %add3A = arith.addf %get3A_3, %get3A_8 : vector<1000x128xf32>
    %get3A_9 = arith.constant 0 : index
    %get3A_10 = arith.constant 0 : index
    %get3A_11 = vector.load %arg2[%get3A_9, %get3A_10] : memref<1000x128xf32, #tpu.memory_space<vmem>>, vector<1000x128xf32>
    %add3A_12 = arith.addf %add3A, %get3A_11 : vector<1000x128xf32>
    %get3A_13 = arith.constant 0 : index
    %get3A_14 = arith.constant 0 : index
    %get3A_15 = vector.load %arg3[%get3A_13, %get3A_14] : memref<1000x128xf32, #tpu.memory_space<vmem>>, vector<1000x128xf32>
    %mul3A = arith.mulf %get3A_15, %add3A_12 : vector<1000x128xf32>
    %get3A_16 = arith.constant 0 : index
    %get3A_17 = arith.constant 0 : index
    %get3A_18 = vector.load %arg4[%get3A_16, %get3A_17] : memref<1x128xf32, #tpu.memory_space<vmem>>, vector<1x128xf32>
    %add3A_19 = vector.broadcast %get3A_18 : vector<1x128xf32> to vector<1000x128xf32>
    %add3A_20 = arith.addf %mul3A, %add3A_19 : vector<1000x128xf32>
    %max3A = arith.constant 0.000000e+00 : f32
    %max3A_21 = vector.broadcast %max3A : f32 to vector<1000x128xf32>
    %max3A_22 = arith.maximumf %add3A_20, %max3A_21 : vector<1000x128xf32>
    %get3A_23 = arith.constant 0 : index
    %get3A_24 = arith.constant 0 : index
    %get3A_25 = vector.load %arg3[%get3A_23, %get3A_24] : memref<1000x128xf32, #tpu.memory_space<vmem>>, vector<1000x128xf32>
    %get3A_26 = arith.constant 0 : index
    %get3A_27 = arith.constant 0 : index
    %get3A_28 = vector.load %arg5[%get3A_26, %get3A_27] : memref<128x128xf32, #tpu.memory_space<vmem>>, vector<128x128xf32>
    %dot_general3A = arith.constant dense<0.000000e+00> : vector<1000x128xf32>
    %dot_general3A_29 = tpu.matmul %max3A_22, %get3A_28, %dot_general3A {dimension_numbers = #tpu.dot_dimension_numbers<[1], [0], [0], [1], [0, 0, 1, 1], [], []>, transpose_lhs_hint = false} : vector<1000x128xf32>, vector<128x128xf32>, vector<1000x128xf32> -> vector<1000x128xf32>
    %mul3A_30 = arith.mulf %get3A_25, %dot_general3A_29 : vector<1000x128xf32>
    %swap3A = arith.constant 0 : index
    %swap3A_31 = arith.constant 0 : index
    %swap3A_32 = vector.load %arg6[%swap3A, %swap3A_31] : memref<1000x128xf32, #tpu.memory_space<vmem>>, vector<1000x128xf32>
    tpu.vector_store %arg6[%swap3A, %swap3A_31], %mul3A_30 {strides = array<i32>} : memref<1000x128xf32, #tpu.memory_space<vmem>>, vector<1000x128xf32>,
    return
  }
  func.func @transform_0(%arg0: i32) -> (i32, i32, i32) {
    %c0_i32 = arith.constant 0 : i32
    %c0_i32_0 = arith.constant 0 : i32
    %c0_i32_1 = arith.constant 0 : i32
    return %c0_i32, %arg0, %c0_i32_0 : i32, i32, i32
  }
  func.func @transform_1(%arg0: i32) -> (i32, i32) {
    %c0_i32 = arith.constant 0 : i32
    %c0_i32_0 = arith.constant 0 : i32
    return %arg0, %c0_i32 : i32, i32
  }
  func.func @transform_2(%arg0: i32) -> (i32, i32) {
    %c0_i32 = arith.constant 0 : i32
    %c0_i32_0 = arith.constant 0 : i32
    return %arg0, %c0_i32 : i32, i32
  }
  func.func @transform_3(%arg0: i32) -> (i32, i32) {
    %c0_i32 = arith.constant 0 : i32
    %c0_i32_0 = arith.constant 0 : i32
    %c0_i32_1 = arith.constant 0 : i32
    return %c0_i32, %c0_i32_0 : i32, i32
  }
  func.func @transform_4(%arg0: i32) -> (i32, i32) {
    %c0_i32 = arith.constant 0 : i32
    %c0_i32_0 = arith.constant 0 : i32
    %c0_i32_1 = arith.constant 0 : i32
    return %c0_i32, %c0_i32_0 : i32, i32
  }
  func.func @transform_5(%arg0: i32) -> (i32, i32) {
    %c0_i32 = arith.constant 0 : i32
    %c0_i32_0 = arith.constant 0 : i32
    return %arg0, %c0_i32 : i32, i32
  }
}

module attributes {stable_mosaic.version = 14 : i64} {
  func.func @_comb_body(%arg0: i32, %arg1: memref<2x1000x128xf32, #tpu.memory_space<vmem>>, %arg2: memref<1000x128xf32, #tpu.memory_space<vmem>>, %arg3: memref<1000x128xf32, #tpu.memory_space<vmem>>, %arg4: memref<1x128xf32, #tpu.memory_space<vmem>>, %arg5: memref<1000x128xf32, #tpu.memory_space<vmem>>) attributes {dimension_semantics = [#tpu.dimension_semantics<arbitrary>], iteration_bounds = array<i64: 10>, scalar_prefetch = 0 : i64, scratch_operands = 0 : i64, tpu.core_type = #tpu.core_type<tc>, window_params = [{transform_indices = @transform_0, window_bounds = array<i64: 2, 1000, 128>}, {transform_indices = @transform_1, window_bounds = array<i64: 1000, 128>}, {transform_indices = @transform_2, window_bounds = array<i64: 1000, 128>}, {pipeline_mode = #tpu.pipeline_mode<synchronous>, transform_indices = @transform_3, window_bounds = array<i64: 1, 128>}, {transform_indices = @transform_4, window_bounds = array<i64: 1000, 128>}]} {
    %get3A = arith.constant 0 : index
    %get3A_0 = arith.constant 0 : index
    %get3A_1 = arith.constant 0 : index
    %get3A_2 = vector.load %arg1[%get3A, %get3A_0, %get3A_1] : memref<2x1000x128xf32, #tpu.memory_space<vmem>>, vector<1x1000x128xf32>
    %get3A_3 = vector.shape_cast %get3A_2 : vector<1x1000x128xf32> to vector<1000x128xf32>
    %get3A_4 = arith.constant 1 : index
    %get3A_5 = arith.constant 0 : index
    %get3A_6 = arith.constant 0 : index
    %get3A_7 = vector.load %arg1[%get3A_4, %get3A_5, %get3A_6] : memref<2x1000x128xf32, #tpu.memory_space<vmem>>, vector<1x1000x128xf32>
    %get3A_8 = vector.shape_cast %get3A_7 : vector<1x1000x128xf32> to vector<1000x128xf32>
    %add3A = arith.addf %get3A_3, %get3A_8 : vector<1000x128xf32>
    %get3A_9 = arith.constant 0 : index
    %get3A_10 = arith.constant 0 : index
    %get3A_11 = vector.load %arg2[%get3A_9, %get3A_10] : memref<1000x128xf32, #tpu.memory_space<vmem>>, vector<1000x128xf32>
    %add3A_12 = arith.addf %add3A, %get3A_11 : vector<1000x128xf32>
    %get3A_13 = arith.constant 0 : index
    %get3A_14 = arith.constant 0 : index
    %get3A_15 = vector.load %arg3[%get3A_13, %get3A_14] : memref<1000x128xf32, #tpu.memory_space<vmem>>, vector<1000x128xf32>
    %mul3A = arith.mulf %get3A_15, %add3A_12 : vector<1000x128xf32>
    %get3A_16 = arith.constant 0 : index
    %get3A_17 = arith.constant 0 : index
    %get3A_18 = vector.load %arg4[%get3A_16, %get3A_17] : memref<1x128xf32, #tpu.memory_space<vmem>>, vector<1x128xf32>
    %add3A_19 = vector.broadcast %get3A_18 : vector<1x128xf32> to vector<1000x128xf32>
    %add3A_20 = arith.addf %mul3A, %add3A_19 : vector<1000x128xf32>
    %max3A = arith.constant 0.000000e+00 : f32
    %max3A_21 = vector.broadcast %max3A : f32 to vector<1000x128xf32>
    %max3A_22 = arith.maximumf %add3A_20, %max3A_21 : vector<1000x128xf32>
    %swap3A = arith.constant 0 : index
    %swap3A_23 = arith.constant 0 : index
    %swap3A_24 = vector.load %arg5[%swap3A, %swap3A_23] : memref<1000x128xf32, #tpu.memory_space<vmem>>, vector<1000x128xf32>
    tpu.vector_store %arg5[%swap3A, %swap3A_23], %max3A_22 {strides = array<i32>} : memref<1000x128xf32, #tpu.memory_space<vmem>>, vector<1000x128xf32>,
    return
  }
  func.func @transform_0(%arg0: i32) -> (i32, i32, i32) {
    %c0_i32 = arith.constant 0 : i32
    %c0_i32_0 = arith.constant 0 : i32
    %c0_i32_1 = arith.constant 0 : i32
    return %c0_i32, %arg0, %c0_i32_0 : i32, i32, i32
  }
  func.func @transform_1(%arg0: i32) -> (i32, i32) {
    %c0_i32 = arith.constant 0 : i32
    %c0_i32_0 = arith.constant 0 : i32
    return %arg0, %c0_i32 : i32, i32
  }
  func.func @transform_2(%arg0: i32) -> (i32, i32) {
    %c0_i32 = arith.constant 0 : i32
    %c0_i32_0 = arith.constant 0 : i32
    return %arg0, %c0_i32 : i32, i32
  }
  func.func @transform_3(%arg0: i32) -> (i32, i32) {
    %c0_i32 = arith.constant 0 : i32
    %c0_i32_0 = arith.constant 0 : i32
    %c0_i32_1 = arith.constant 0 : i32
    return %c0_i32, %c0_i32_0 : i32, i32
  }
  func.func @transform_4(%arg0: i32) -> (i32, i32) {
    %c0_i32 = arith.constant 0 : i32
    %c0_i32_0 = arith.constant 0 : i32
    return %arg0, %c0_i32 : i32, i32
  }
}

</mosaic_0001>

<sc_bundles>
// kernel: kernel.12.cloned.1.call-start
scs
__scs_entry_jumppad:
0x0: {  	(pc) =	sbr.rel $0x88, $3  }
0x1: {  	(tag) =	ssettag $0x0;
	lr =	simm.s32 $0x1  }
0x2: {  	[smem:$0x3F9B] =	sst lr;
	_ =	strace $0xD0000000  }
0x3: {  	_ = 	snop  }
0x4: {  	_ = 	snop  }
0x5: {  	_ = 	snop  }
0x6: {  	_ = 	snop  }
0x7: {  	_ = 	snop  }
__scs_overlays_trampoline_lowered:
0x8: {  	[smem:$0x3FAA] =	sst s0  }
0x9: {  	[smem:$0x3FAB] =	sst s1  }
0xa: {  	[smem:$0x3FAC] =	sst s2  }
0xb: {  	[smem:$0x3FAD] =	sst s3  }
0xc: {  	[smem:$0x3FAE] =	sst s4  }
0xd: {  	[smem:$0x3FAF] =	sst s5  }
0xe: {  	[smem:$0x3FB0] =	sst s6  }
0xf: {  	[smem:$0x3FB1] =	sst s7  }
0x10: {  	[smem:$0x3FB2] =	sst s8  }
0x11: {  	[smem:$0x3FB3] =	sst s9;
	s0 =	simm.s32 @!p0 $0x0  }
0x12: {  	s1 =	sld [smem:$0x3F99];
	s0 =	simm.s32 @p0 $0x1  }
0x13: {  	[smem:$0x3FB4] =	sst s0;
	s0 =	simm.s32 @!p1 $0x0  }
0x14: {  	s2 =	sld [smem:$0x3F98];
	s0 =	simm.s32 @p1 $0x1  }
0x15: {  	[smem:$0x3FB5] =	sst s0;
	s0 =	simm.s32 @!p2 $0x0  }
0x16: {  	s3 =	sld [smem:$0x3FDB];
	s0 =	simm.s32 @p2 $0x1  }
0x17: {  	s4 =	simm.s32 $0x1BF5;
	[smem:$0x3FB7] =	sst s0  }
0x18: {  	s0 =	sld [smem:$0x3F9A];
	_ =	swait.ge [sflag:s4], $0x0  }
0x19: {  	s7 =	sld [smem:$0x3F9B]  }
0x1a: {  	s8 =	sadd.s32 $0xFFFFE003, lr  }
0x1b: {  	s9 =	sadd.s32 $0xFFFFFEF7, lr;
	s5 =	simm.s32 $0xFFFFFFFF;
	p2 =	slt.u32 s8, $0xFFFFF086  }
0x1c: {  	p1 =	slt.u32 s9, $0xF7A;
	s5 =	simm.s32 @!p2 $0x0  }
0x1d: {  	s5 =	simm.s32 @p1 $0x1;
	p0 =	seq.s32 s7, s2  }
0x1e: {  	s7 =	smul.u32 @!p0 $0xF7A, s2;
	p2 =	seq.s32 @!p0 s5, $0x0  }
0x1f: {  	s9 =	smul.u32 $0xF7A, s1;
	s8 =	simm.s32 @!p0 $0x1BF5;
	p2 =	por !p2, p0  }
0x20: {  	[sflag:s8] =	ssyncset.s32 @!p0 $0xFFFFF086;
	s6 =	sadd.s32 @!p0 s3, s7;
	s7 =	simm.s32 @!p0 $0x108  }
0x21: {  	s3 =	sadd.s32 s3, s9;
	s6 =	sadd.s32 @!p0 $0x88, s6;
	s7 =	simm.s32 @p2 $0x1082  }
0x22: {  	[simem:s7], [sflag:s8] =	dma.local @!p0 [hbm:s6], $0xF7A  }
0x23: {  	s9 =	sor.u32 $0xD0000000, s2;
	s6 =	simm.s32 $0x108;
	_ =	swait.ge @!p0 [sflag:s8], $0x0  }
0x24: {  	s3 =	sadd.s32 $0x88, s3;
	s6 =	simm.s32 @!p1 $0x1082;
	[sflag:s4] =	ssyncset.s32 $0xFFFFF086  }
0x25: {  	[simem:s6], [sflag:s4] =	dma.local [hbm:s3], $0xF7A  }
0x26: {  	[smem:$0x3F9B] =	sst s1;
	(tag) =	ssettag s2;
	_ =	strace s9  }
0x27: {  	s1 =	sld [smem:$0x3FAB]  }
0x28: {  	s2 =	sld [smem:$0x3FAC]  }
0x29: {  	s4 =	sld [smem:$0x3FAE]  }
0x2a: {  	p0 =	seq.s32 s5, $0x0;
	s5 =	sld [smem:$0x3FAF]  }
0x2b: {  	s6 =	sld [smem:$0x3FB0]  }
0x2c: {  	s7 =	sld [smem:$0x3FB1]  }
0x2d: {  	s3 =	simm.s32 $0x108;
	s8 =	sld [smem:$0x3FB2]  }
0x2e: {  	s3 =	simm.s32 @!p0 $0x1082;
	s9 =	sld [smem:$0x3FB3]  }
0x2f: {  	lr =	sadd.s32 s0, s3;
	s0 =	sld [smem:$0x3FAA]  }
0x30: {  	s3 =	sld [smem:$0x3FAD]  }
0x31: {  	[smem:$0x3FB6] =	sst s10  }
0x32: {  	s10 =	sld [smem:$0x3FB4];
	_ =	sdelay $0x3  }
0x33: {  	p0 =	seq.s32 s10, $0x1;
	s10 =	sld [smem:$0x3FB6];
	_ =	sdelay $0x3  }
0x34: {  	[smem:$0x3FB6] =	sst s10  }
0x35: {  	s10 =	sld [smem:$0x3FB5];
	_ =	sdelay $0x3  }
0x36: {  	p1 =	seq.s32 s10, $0x1;
	s10 =	sld [smem:$0x3FB6];
	_ =	sdelay $0x3  }
0x37: {  	[smem:$0x3FB6] =	sst s10  }
0x38: {  	s10 =	sld [smem:$0x3FB7]  }
0x39: {  	_ = 	snop;
	(pc) =	sbr.ind lr, $3  }
0x3a: {  	_ = 	snop  }
0x3b: {  	_ = 	snop  }
0x3c: {  	p2 =	seq.s32 s10, $0x1;
	s10 =	sld [smem:$0x3FB6]  }
0x3d: {  	_ =	shalt  }
0x3e: {  	_ =	shalt  }
0x3f: {  	_ =	shalt  }
0x40: {  	_ =	shalt  }
0x41: {  	_ =	shalt  }
0x42: {  	_ =	shalt  }
0x43: {  	_ =	shalt  }
0x44: {  	_ =	shalt  }
0x45: {  	_ =	shalt  }
0x46: {  	_ =	shalt  }
0x47: {  	_ =	shalt  }
0x48: {  	_ =	shalt  }
0x49: {  	_ =	shalt  }
0x4a: {  	_ =	shalt  }
0x4b: {  	_ =	shalt  }
0x4c: {  	_ =	shalt  }
0x4d: {  	_ =	shalt  }
0x4e: {  	_ =	shalt  }
0x4f: {  	_ =	shalt  }
0x50: {  	_ =	shalt  }
0x51: {  	_ =	shalt  }
0x52: {  	_ =	shalt  }
0x53: {  	_ =	shalt  }
0x54: {  	_ =	shalt  }
0x55: {  	_ =	shalt  }
0x56: {  	_ =	shalt  }
0x57: {  	_ =	shalt  }
0x58: {  	_ =	shalt  }
0x59: {  	_ =	shalt  }
0x5a: {  	_ =	shalt  }
0x5b: {  	_ =	shalt  }
0x5c: {  	_ =	shalt  }
0x5d: {  	_ =	shalt  }
0x5e: {  	_ =	shalt  }
0x5f: {  	_ =	shalt  }
0x60: {  	_ =	shalt  }
0x61: {  	_ =	shalt  }
0x62: {  	_ =	shalt  }
0x63: {  	_ =	shalt  }
0x64: {  	_ =	shalt  }
0x65: {  	_ =	shalt  }
0x66: {  	_ =	shalt  }
0x67: {  	_ =	shalt  }
0x68: {  	_ =	shalt  }
0x69: {  	_ =	shalt  }
0x6a: {  	_ =	shalt  }
0x6b: {  	_ =	shalt  }
0x6c: {  	_ =	shalt  }
0x6d: {  	_ =	shalt  }
0x6e: {  	_ =	shalt  }
0x6f: {  	_ =	shalt  }
0x70: {  	_ =	shalt  }
0x71: {  	_ =	shalt  }
0x72: {  	_ =	shalt  }
0x73: {  	_ =	shalt  }
0x74: {  	_ =	shalt  }
0x75: {  	_ =	shalt  }
0x76: {  	_ =	shalt  }
0x77: {  	_ =	shalt  }
0x78: {  	_ =	shalt  }
0x79: {  	_ =	shalt  }
0x7a: {  	_ =	shalt  }
0x7b: {  	_ =	shalt  }
0x7c: {  	_ =	shalt  }
0x7d: {  	_ =	shalt  }
0x7e: {  	_ =	shalt  }
0x7f: {  	_ =	shalt  }
0x80: {  	_ =	shalt  }
0x81: {  	_ =	shalt  }
0x82: {  	_ =	shalt  }
0x83: {  	_ =	shalt  }
0x84: {  	_ =	shalt  }
0x85: {  	_ =	shalt  }
0x86: {  	_ =	shalt  }
0x87: {  	_ =	shalt  }
.Lfunc_end0:
.L_simem_size_0:
called_computation.1_lowered:
.L_overlay_start_0:
0x88: {  	s2 =	sld [smem:$0x3FD9]  }
0x89: {  	s3 =	sld [smem:$0x3FFE];
	_ =	sdelay $0x1  }
0x8a: {  	s1 =	srdreg.scid  }
0x8b: {  	s0 =	sand.u32 $0x1, s1  }
0x8c: {  	s17 =	sshll.u32 s0, $0xA;
	s2 =	sadd.s32 s3, s2  }
0x8d: {  	s2 =	sadd.s32 s2, s17  }
0x8e: {  	[smem:$0x3FC2] =	sst s2  }
0x8f: {  	_ = 	snop  }
0x90: {  	s2 =	sld [smem:$0x3FD0];
	(tm) =	ssettm $0x1  }
0x91: {  	s18 =	sld [smem:$0x3FFB];
	_ =	sdelay $0x3  }
0x92: {  	_ =	strace s18  }
0x93: {  	s3 =	sld [smem:$0x3FFC];
	_ =	sdelay $0x3  }
0x94: {  	_ =	strace s3  }
0x95: {  	s3 =	sld [smem:$0x3FFD];
	_ =	sdelay $0x3  }
0x96: {  	_ =	strace s3  }
0x97: {  	_ =	strace $0x8FFFFFFF  }
0x98: {  	s19 =	sld [smem:$0x3FDB];
	_ =	sdelay $0x1  }
0x99: {  	s4 =	simm.s32 $_scs_section_size  }
0x9a: {  	s5 =	simm.s32 $_size__tile_overlayer_lowered;
	s6 =	simm.s32 $_tile_overlayer_lowered  }
0x9b: {  	s22 =	simm.s32 $0x1BFF;
	s21 =	sshll.u32 s6, $0x1;
	s3 =	sadd.s32 s4, s19  }
0x9c: {  	s7 =	simm.s32 $0x0;
	s20 =	sshll.u32 s5, $0x1;
	s5 =	sadd.s32 s21, s3  }
0x9d: {  	[timem:s7], [sflag:s22] =	dma.local [hbm:s5], s20  }
0x9e: {  	_ =	swait.ge [sflag:s22], s20  }
0x9f: {  	s4 =	ssub.s32 $0x0, s20;
	[sflag:s22] =	ssyncset.done $0x0  }
0xa0: {  	[sflag:s22] =	ssyncadd.s32 s4;
	_ =	sdelay $0x1  }
0xa1: {  	s23 =	simm.s32 $0x1B8B  }
0xa2: {  	_ =	swait.ge [sflag:s23], $0x1  }
0xa3: {  	[sflag:s23] =	ssyncset.done $0x0  }
0xa4: {  	s25 =	simm.s32 $0x1B8E;
	s24 =	sld [smem:$0x3FFE];
	[sflag:s23] =	ssyncadd.s32 $0xFFFFFFFF  }
0xa5: {  	s26 =	simm.s32 $execute0_lowered;
	[smem:$0x3FD2] =	sst s25  }
0xa6: {  	s5 =	sshll.u32 s26, $0x1;
	_ =	strace $0x80000049;
	[dreg:$0x1] =	wrdreg $0xFFFFFFFF  }
0xa7: {  	s28 =	simm.s32 $_size_execute0_lowered;
	s3 =	sadd.s32 s3, s5;
	[dreg:$0x0] =	wrdreg $0x0  }
0xa8: {  	s5 =	sshll.u32 s28, $0x1;
	[dreg:$0x2] =	wrdreg s3  }
0xa9: {  	[dreg:$0x3] =	wrdreg s5  }
0xaa: {  	[dreg:$0x4] =	wrdreg $0xC0  }
0xab: {  	_ =	task [dreg:s7], $0x5FFFF  }
0xac: {  	[dreg:$0x1] =	wrdreg $0xFFFFFFFF  }
0xad: {  	[dreg:$0x0] =	wrdreg $0x60  }
0xae: {  	[dreg:$0x2] =	wrdreg s2  }
0xaf: {  	[dreg:$0x3] =	wrdreg s24  }
0xb0: {  	[dreg:$0x4] =	wrdreg $0x41000  }
0xb1: {  	[dreg:$0x5] =	wrdreg $0x9  }
0xb2: {  	_ =	task.clear_ibuf [dreg:s7], $0x6FFFF;
	_ =	strace $0x90000049  }
0xb3: {  	s29 =	simm.s32 $0x9;
	_ =	strace $0x8000004B  }
0xb4: {  	_ =	swait.ge [sflag:s29], $0x1  }
0xb5: {  	[sflag:s29] =	ssyncadd.s32 $0xFFFFFFFF  }
0xb6: {  	_ =	strace $0x9000004B  }
0xb7: {  	_ =	sfence  }
0xb8: {  	s30 =	sld [smem:$0x0];
	_ =	sdelay $0x2  }
0xb9: {  	s31 =	sshll.u32 s1, $0xD;
	s1 =	sshrl.u32 s1, $0x2  }
0xba: {  	s3 =	sand.u32 $0x4000, s31;
	s1 =	sadd.s32 s1, s30  }
0xbb: {  	s0 =	sor.u32 s3, s0;
	s1 =	sshll.u32 s1, $0x11  }
0xbc: {  	s0 =	sor.u32 s1, s0  }
0xbd: {  	s0 =	sadd.s32 $0x8F2B, s0  }
0xbe: {  	[sflag:s0] =	ssyncadd.remote.s32 $0x1  }
0xbf: {  	_ =	sfence.sel $0xFFFF  }
0xc0: {  	[dreg:$0x0] =	wrdreg $0xFFFFFFFF;
	(pc) =	sbr.abs _section_cstart, $3  }
0xc1: {  	[dreg:$0x1] =	wrdreg $0xFFFFFFFF  }
0xc2: {  	_ =	task.clear_ibuf [dreg:s7], $0x2FFFF;
	_ =	strace $0x9FFFFFFF  }
0xc3: {  	(tm) =	ssettm $0x7FFFFFFF  }
tec
execute0_lowered:
.L_overlay_start_1:
0x0: {  	(tag) =	ssettag $0x1  }
0x1: {  	s2 =	rddreg [dreg:$0x0]  }
0x2: {  	s7 =	rddreg [dreg:$0x1]  }
0x3: {  	s3 =	rddreg [dreg:$0x2]  }
0x4: {  	s0 =	rddreg [dreg:$0x3]  }
0x5: {  	s1 =	stileid.u32;
	s5 =	srdreg.scid  }
0x6: {  	s4 =	simm.s32 $0x0;
	s20 =	simm.s32 $0x0;
	s8 =	smul.u32 $0x280, s1  }
0x7: {  	s11 =	sand.u32 $0x1, s5;
	[smem:$0x7FF] =	sst s4;
	s15 =	smul.u32 $0x50000, s1  }
0x8: {  	s5 =	sadd.s32 $0x2E00, s7;
	s6 =	sadd.s32 $0xCE00, s7;
	s16 =	smul.u32 $0xA00, s1  }
0x9: {  	s18 =	sshll.u32 s1, $0x6;
	s9 =	smul.u32 $0x2800, s11;
	_ =	strace $0x8000004A  }
0xa: {  	s10 =	ssub.s32 $0x2, s11;
	s17 =	smul.u32 $0x500, s11;
	s18 =	sor.u32 $0x1C01, s18  }
0xb: {  	s31 =	sshrl.u32 s10, $0x1;
	s15 =	sshrl.u32 s15, $0x2;
	s9 =	sadd.s32 s8, s9  }
0xc: {  	s8 =	sshrl.u32 s8, $0x3;
	s14 =	ssub.s32 s10, s31;
	s19 =	sadd.s32 s15, s3  }
0xd: {  	s15 =	simm.s32 $0x1;
	s9 =	sshll.u32 s9, $0x4;
	s12 =	sadd.s32 s8, s7  }
0xe: {  	s19 =	sshrl.u32 s19, $0x3;
	s13 =	sadd.s32 s9, s7;
	s7 =	sadd.s32 $0x2800, s12  }
0xf: {  	s8 =	sadd.s32 $0x2810, s12;
	s9 =	sadd.s32 $0x2820, s12;
	s10 =	sadd.s32 $0x2830, s12  }
0x10: {  	s11 =	sadd.s32 $0x2840, s12;
	s12 =	sadd.s32 $0x16E00, s13;
	s13 =	smax.u32 s14, $0x1  }
0x11: {  	v0 =	vimm.f32 $0.0e+00;
	s14 =	sadd.s32 s17, s16;
	s16 =	simm.s32 $0x80;
	s17 =	simm.s32 $0x100  }
.LBB2_1:
0x12: {  	s21 =	simm.s32 $0x0;
	s22 =	simm.s32 $0x200  }
.LBB2_2:
0x13: {  	p0 =	sne.s32 s22, $0xFE00;
	[tilespmem:s21+$0x170] =	vst v0  }
0x14: {  	[tilespmem:s21+$0x100] =	vst v0  }
0x15: {  	[tilespmem:s21+$0x110] =	vst v0  }
.Ltmp0:
0x16: {  	[tilespmem:s21+$0x120] =	vst v0;
	(pc) =	sbr.rel @p0 .LBB2_2-.Ltmp0, $4  }
0x17: {  	[tilespmem:s21+$0x130] =	vst v0  }
0x18: {  	[tilespmem:s21+$0x140] =	vst v0  }
0x19: {  	[tilespmem:s21+$0x150] =	vst v0  }
0x1a: {  	[tilespmem:s21+$0x160] =	vst v0;
	s21 =	sshra.s32 s22, $0x2;
	s22 =	sadd.s32 $0x200, s22  }
0x1b: {  	[tilespmem:s21+$0x170] =	vst v0  }
0x1c: {  	[tilespmem:s21+$0x100] =	vst v0  }
0x1d: {  	[tilespmem:s21+$0x110] =	vst v0  }
0x1e: {  	[tilespmem:s21+$0x120] =	vst v0  }
0x1f: {  	[tilespmem:s21+$0x130] =	vst v0  }
0x20: {  	[tilespmem:s21+$0x140] =	vst v0  }
0x21: {  	[tilespmem:s21+$0x150] =	vst v0  }
0x22: {  	[tilespmem:s21+$0x160] =	vst v0;
	s29 =	simm.s32 $0x0  }
0x23: {  	[tilespmem:s29], [sflag:$0x1] =	stream.linear.gather [hbm4b:s7+s29], $0x80, $0x38;
	[tilespmem:$0x18100] =	vst v63  }
0x24: {  	_ =	swait.ge [sflag:s15], $0x80  }
0x25: {  	[sflag:s15] =	ssyncset.done $0x0  }
0x26: {  	[sflag:s15] =	ssyncadd.s32 $0xFFFFFF80  }
0x27: {  	[spmem:s3] =	stream.indirect.scatter [tilespmem:s17], [sflag:$0x1], $0x80, s29, s16, $0xb8;
	[tilespmem:$0x18100] =	vst v63  }
0x28: {  	_ =	swait.ge [sflag:s15], $0x4000  }
0x29: {  	[sflag:s15] =	ssyncset.done $0x0  }
0x2a: {  	[sflag:s15] =	ssyncadd.s32 $0xFFFFC000  }
0x2b: {  	[tilespmem:s29], [sflag:$0x1] =	stream.linear.gather [hbm4b:s8+s29], $0x80, $0x38;
	[tilespmem:$0x18100] =	vst v63  }
0x2c: {  	_ =	swait.ge [sflag:s15], $0x80  }
0x2d: {  	[sflag:s15] =	ssyncset.done $0x0  }
0x2e: {  	[sflag:s15] =	ssyncadd.s32 $0xFFFFFF80  }
0x2f: {  	[spmem:s3] =	stream.indirect.scatter [tilespmem:s17], [sflag:$0x1], $0x80, s29, s16, $0xb8;
	[tilespmem:$0x18100] =	vst v63  }
0x30: {  	_ =	swait.ge [sflag:s15], $0x4000  }
0x31: {  	[sflag:s15] =	ssyncset.done $0x0  }
0x32: {  	[sflag:s15] =	ssyncadd.s32 $0xFFFFC000  }
0x33: {  	[tilespmem:s29], [sflag:$0x1] =	stream.linear.gather [hbm4b:s9+s29], $0x80, $0x38;
	[tilespmem:$0x18100] =	vst v63  }
0x34: {  	_ =	swait.ge [sflag:s15], $0x80  }
0x35: {  	[sflag:s15] =	ssyncset.done $0x0  }
0x36: {  	[sflag:s15] =	ssyncadd.s32 $0xFFFFFF80  }
0x37: {  	[spmem:s3] =	stream.indirect.scatter [tilespmem:s17], [sflag:$0x1], $0x80, s29, s16, $0xb8;
	[tilespmem:$0x18100] =	vst v63  }
0x38: {  	_ =	swait.ge [sflag:s15], $0x4000  }
0x39: {  	[sflag:s15] =	ssyncset.done $0x0  }
0x3a: {  	[sflag:s15] =	ssyncadd.s32 $0xFFFFC000  }
0x3b: {  	[tilespmem:s29], [sflag:$0x1] =	stream.linear.gather [hbm4b:s10+s29], $0x80, $0x38;
	[tilespmem:$0x18100] =	vst v63  }
0x3c: {  	_ =	swait.ge [sflag:s15], $0x80  }
0x3d: {  	[sflag:s15] =	ssyncset.done $0x0  }
0x3e: {  	[sflag:s15] =	ssyncadd.s32 $0xFFFFFF80  }
0x3f: {  	[spmem:s3] =	stream.indirect.scatter [tilespmem:s17], [sflag:$0x1], $0x80, s29, s16, $0xb8;
	[tilespmem:$0x18100] =	vst v63  }
0x40: {  	_ =	swait.ge [sflag:s15], $0x4000  }
0x41: {  	[sflag:s15] =	ssyncset.done $0x0  }
0x42: {  	[sflag:s15] =	ssyncadd.s32 $0xFFFFC000  }
0x43: {  	[tilespmem:s29], [sflag:$0x1] =	stream.linear.gather [hbm4b:s11+s29], $0x80, $0x38;
	[tilespmem:$0x18100] =	vst v63  }
0x44: {  	_ =	swait.ge [sflag:s15], $0x80  }
0x45: {  	[sflag:s15] =	ssyncset.done $0x0  }
0x46: {  	[sflag:s15] =	ssyncadd.s32 $0xFFFFFF80  }
0x47: {  	[spmem:s3] =	stream.indirect.scatter [tilespmem:s17], [sflag:$0x1], $0x80, s29, s16, $0xb8;
	[tilespmem:$0x18100] =	vst v63  }
0x48: {  	s22 =	sadd.s32 $0x0, s14;
	_ =	swait.ge [sflag:s15], $0x4000  }
0x49: {  	s22 =	sand.u32 $0xFFFFF80, s22;
	s21 =	sand.u32 $0x70, s29;
	[sflag:s15] =	ssyncset.done $0x0  }
0x4a: {  	s21 =	sor.u32 s21, s22;
	[sflag:s15] =	ssyncadd.s32 $0xFFFFC000  }
0x4b: {  	s22 =	sadd.s32 s5, s21;
	[bflag:$0x0] =	sbarrier.arrive $0xFFFF  }
0x4c: {  	[tilespmem:s4], [sflag:$0x1] =	stream.linear.gather [hbm4b:s22+s4], $0x80, $0x38;
	[tilespmem:$0x18100] =	vst v63  }
0x4d: {  	_ =	swait.ge [sflag:s15], $0x80  }
0x4e: {  	[sflag:s15] =	ssyncset.done $0x0  }
0x4f: {  	s21 =	sadd.s32 s6, s21;
	[sflag:s15] =	ssyncadd.s32 $0xFFFFFF80  }
0x50: {  	[tilespmem:s16], [sflag:$0x1] =	stream.linear.gather [hbm4b:s21+s4], $0x80, $0x38;
	[tilespmem:$0x18100] =	vst v63  }
0x51: {  	_ =	swait.ge [sflag:s15], $0x80  }
0x52: {  	[sflag:s15] =	ssyncset.done $0x0  }
0x53: {  	[sflag:s15] =	ssyncadd.s32 $0xFFFFFF80  }
0x54: {  	[tilespmem:s17], [sflag:$0x1] =	stream.indirect.gather [hbm4b:s2+s16], $0x80, s4, s16, $0xb8;
	[tilespmem:$0x18100] =	vst v63  }
0x55: {  	_ =	swait.ge [sflag:s15], $0x4000  }
0x56: {  	[sflag:s15] =	ssyncset.done $0x0  }
0x57: {  	s30 =	simm.s32 $0x10;
	s31 =	sadd.s32 $0x10, s14;
	[sflag:s15] =	ssyncadd.s32 $0xFFFFC000  }
0x58: {  	[spmem:s3] =	stream.indirect.scatter.add.f32 [tilespmem:s17], [sflag:$0x1], $0x80, s16, s16, $0xb8;
	[tilespmem:$0x18100] =	vst v63  }
0x59: {  	s23 =	sand.u32 $0xFFFFF80, s31;
	s21 =	sand.u32 $0x70, s30;
	_ =	swait.ge [sflag:s15], $0x4000  }
0x5a: {  	s22 =	simm.s32 $0x20;
	s21 =	sor.u32 s21, s23;
	[sflag:s15] =	ssyncset.done $0x0  }
.LBB2_4:
0x5b: {  	s23 =	sadd.s32 s5, s21  }
0x5c: {  	[sflag:s15] =	ssyncadd.s32 $0xFFFFC000;
	s24 =	smov.u32 s22;
	s25 =	sadd.s32 $0x10, s22  }
0x5d: {  	[tilespmem:s4], [sflag:$0x1] =	stream.linear.gather [hbm4b:s23+s4], $0x80, $0x38;
	[tilespmem:$0x18100] =	vst v63  }
0x5e: {  	p0 =	sne.s32 s22, $0x4F0;
	_ =	swait.ge [sflag:s15], $0x80  }
0x5f: {  	[sflag:s15] =	ssyncset.done $0x0  }
0x60: {  	s21 =	sadd.s32 s6, s21;
	[sflag:s15] =	ssyncadd.s32 $0xFFFFFF80  }
0x61: {  	[tilespmem:s16], [sflag:$0x1] =	stream.linear.gather [hbm4b:s21+s4], $0x80, $0x38;
	[tilespmem:$0x18100] =	vst v63  }
0x62: {  	_ =	swait.ge [sflag:s15], $0x80  }
0x63: {  	[sflag:s15] =	ssyncset.done $0x0  }
0x64: {  	[sflag:s15] =	ssyncadd.s32 $0xFFFFFF80  }
0x65: {  	[tilespmem:s17], [sflag:$0x1] =	stream.indirect.gather [hbm4b:s2+s16], $0x80, s4, s16, $0xb8;
	[tilespmem:$0x18100] =	vst v63  }
0x66: {  	_ =	swait.ge [sflag:s15], $0x4000  }
.Ltmp1:
0x67: {  	[sflag:s15] =	ssyncset.done $0x0;
	(pc) =	sbr.rel @p0 .LBB2_4-.Ltmp1, $4  }
0x68: {  	s21 =	sadd.s32 s24, s14;
	[sflag:s15] =	ssyncadd.s32 $0xFFFFC000  }
0x69: {  	[spmem:s3] =	stream.indirect.scatter.add.f32 [tilespmem:s17], [sflag:$0x1], $0x80, s16, s16, $0xb8;
	[tilespmem:$0x18100] =	vst v63  }
0x6a: {  	s22 =	sand.u32 $0x70, s24;
	s21 =	sand.u32 $0xFFFFF80, s21;
	_ =	swait.ge [sflag:s15], $0x4000  }
0x6b: {  	s21 =	sor.u32 s22, s21;
	s22 =	smov.u32 s25;
	[sflag:s15] =	ssyncset.done $0x0  }
0x6c: {  	s22 =	sadd.s32 s5, s21;
	[sflag:s15] =	ssyncadd.s32 $0xFFFFC000  }
0x6d: {  	[tilespmem:s4], [sflag:$0x1] =	stream.linear.gather [hbm4b:s22+s4], $0x80, $0x38;
	[tilespmem:$0x18100] =	vst v63  }
0x6e: {  	_ =	swait.ge [sflag:s15], $0x80  }
0x6f: {  	[sflag:s15] =	ssyncset.done $0x0  }
0x70: {  	s31 =	sadd.s32 s6, s21;
	[sflag:s15] =	ssyncadd.s32 $0xFFFFFF80  }
0x71: {  	[tilespmem:s16], [sflag:$0x1] =	stream.linear.gather [hbm4b:s31+s4], $0x80, $0x38;
	[tilespmem:$0x18100] =	vst v63  }
0x72: {  	_ =	swait.ge [sflag:s15], $0x80  }
0x73: {  	[sflag:s15] =	ssyncset.done $0x0  }
0x74: {  	[sflag:s15] =	ssyncadd.s32 $0xFFFFFF80  }
0x75: {  	[tilespmem:s17], [sflag:$0x1] =	stream.indirect.gather [hbm4b:s2+s16], $0x80, s4, s16, $0xb8;
	[tilespmem:$0x18100] =	vst v63  }
0x76: {  	_ =	swait.ge [sflag:s15], $0x4000  }
0x77: {  	[sflag:s15] =	ssyncset.done $0x0  }
0x78: {  	[sflag:s15] =	ssyncadd.s32 $0xFFFFC000  }
0x79: {  	[spmem:s3] =	stream.indirect.scatter.add.f32 [tilespmem:s17], [sflag:$0x1], $0x80, s16, s16, $0xb8;
	[tilespmem:$0x18100] =	vst v63  }
0x7a: {  	_ =	swait.ge [sflag:s15], $0x4000  }
0x7b: {  	s20 =	sadd.s32 $0x1, s20;
	[sflag:s15] =	ssyncset.done $0x0  }
0x7c: {  	p0 =	sne.s32 s20, s13;
	[sflag:s15] =	ssyncadd.s32 $0xFFFFC000  }
.Ltmp2:
0x7d: {  	[bflag:$0x0] =	sbarrier.arrive $0xFFFF;
	(pc) =	sbr.rel @p0 .LBB2_1-.Ltmp2, $4  }
0x7e: {  	[hbm:s12], [sflag:s18] =	dma.local [spmem:s19], $0x2800  }
0x7f: {  	_ =	swait.ge [sflag:s15], $0x2800  }
0x80: {  	[sflag:s15] =	ssyncset.done $0x0  }
0x81: {  	[sflag:s15] =	ssyncadd.s32 $0xFFFFD800  }
0x82: {  	_ =	sfence.sel $0x180000  }
0x83: {  	[bflag:$0x0] =	sbarrier.arrive $0xFFFF  }
0x84: {  	p0 =	sne.s32 s1, $0x0;
	_ =	strace $0x9000004A  }
0x85: {  	s0 =	sadd.s32 @!p0 $0x100000, s0;
	[bflag:$0x2] =	sbarrier.arrive $0xFFFF  }
0x86: {  	[sflag:s0] =	ssyncadd.tile.s32 @!p0 $0x1;
	_ =	shalt  }
.Lfunc_end2:
_tile_overlayer_lowered:
.L_overlay_start_2:
0x87: {  	(tag) =	ssettag $0x2  }
0x88: {  	s0 =	rddreg [dreg:$0x0];
	s2 =	stileid.u32  }
0x89: {  	s1 =	rddreg [dreg:$0x1];
	p0 =	sne.s32 s2, $0x0  }
0x8a: {  	s3 =	rddreg [dreg:$0x2];
	[bflag:$0x3] =	sbarrier.arrive $0xFFFF;
	s2 =	simm.s32 @!p0 $0x1C01  }
0x8b: {  	[timem:s3], [sflag:s2] =	dma.local @!p0 [hbm:s0], s1  }
0x8c: {  	s0 =	simm.s32 @!p0 $0x1  }
0x8d: {  	_ =	swait.ge @!p0 [sflag:s0], s1  }
0x8e: {  	s1 =	ssub.s32 @!p0 $0x0, s1;
	[sflag:s0] =	ssyncset.done @!p0 $0x0  }
0x8f: {  	[sflag:s0] =	ssyncadd.s32 @!p0 s1  }
0x90: {  	[bflag:$0x3] =	sbarrier.arrive $0xFFFF  }
0x91: {  	_ =	shalt  }

// kernel: kernel.15.cloned.1.call-start
scs
__scs_entry_jumppad:
0x0: {  	(pc) =	sbr.rel $0x88, $3  }
0x1: {  	(tag) =	ssettag $0x0;
	lr =	simm.s32 $0x1  }
0x2: {  	[smem:$0x3F9B] =	sst lr;
	_ =	strace $0xD0000000  }
0x3: {  	_ = 	snop  }
0x4: {  	_ = 	snop  }
0x5: {  	_ = 	snop  }
0x6: {  	_ = 	snop  }
0x7: {  	_ = 	snop  }
__scs_overlays_trampoline_lowered:
0x8: {  	[smem:$0x3FAA] =	sst s0  }
0x9: {  	[smem:$0x3FAB] =	sst s1  }
0xa: {  	[smem:$0x3FAC] =	sst s2  }
0xb: {  	[smem:$0x3FAD] =	sst s3  }
0xc: {  	[smem:$0x3FAE] =	sst s4  }
0xd: {  	[smem:$0x3FAF] =	sst s5  }
0xe: {  	[smem:$0x3FB0] =	sst s6  }
0xf: {  	[smem:$0x3FB1] =	sst s7  }
0x10: {  	[smem:$0x3FB2] =	sst s8  }
0x11: {  	[smem:$0x3FB3] =	sst s9;
	s0 =	simm.s32 @!p0 $0x0  }
0x12: {  	s1 =	sld [smem:$0x3F99];
	s0 =	simm.s32 @p0 $0x1  }
0x13: {  	[smem:$0x3FB4] =	sst s0;
	s0 =	simm.s32 @!p1 $0x0  }
0x14: {  	s2 =	sld [smem:$0x3F98];
	s0 =	simm.s32 @p1 $0x1  }
0x15: {  	[smem:$0x3FB5] =	sst s0;
	s0 =	simm.s32 @!p2 $0x0  }
0x16: {  	s3 =	sld [smem:$0x3FDB];
	s0 =	simm.s32 @p2 $0x1  }
0x17: {  	s4 =	simm.s32 $0x1BF5;
	[smem:$0x3FB7] =	sst s0  }
0x18: {  	s0 =	sld [smem:$0x3F9A];
	_ =	swait.ge [sflag:s4], $0x0  }
0x19: {  	s7 =	sld [smem:$0x3F9B]  }
0x1a: {  	s8 =	sadd.s32 $0xFFFFE003, lr  }
0x1b: {  	s9 =	sadd.s32 $0xFFFFFEF7, lr;
	s5 =	simm.s32 $0xFFFFFFFF;
	p2 =	slt.u32 s8, $0xFFFFF086  }
0x1c: {  	p1 =	slt.u32 s9, $0xF7A;
	s5 =	simm.s32 @!p2 $0x0  }
0x1d: {  	s5 =	simm.s32 @p1 $0x1;
	p0 =	seq.s32 s7, s2  }
0x1e: {  	s7 =	smul.u32 @!p0 $0xF7A, s2;
	p2 =	seq.s32 @!p0 s5, $0x0  }
0x1f: {  	s9 =	smul.u32 $0xF7A, s1;
	s8 =	simm.s32 @!p0 $0x1BF5;
	p2 =	por !p2, p0  }
0x20: {  	[sflag:s8] =	ssyncset.s32 @!p0 $0xFFFFF086;
	s6 =	sadd.s32 @!p0 s3, s7;
	s7 =	simm.s32 @!p0 $0x108  }
0x21: {  	s3 =	sadd.s32 s3, s9;
	s6 =	sadd.s32 @!p0 $0x88, s6;
	s7 =	simm.s32 @p2 $0x1082  }
0x22: {  	[simem:s7], [sflag:s8] =	dma.local @!p0 [hbm:s6], $0xF7A  }
0x23: {  	s9 =	sor.u32 $0xD0000000, s2;
	s6 =	simm.s32 $0x108;
	_ =	swait.ge @!p0 [sflag:s8], $0x0  }
0x24: {  	s3 =	sadd.s32 $0x88, s3;
	s6 =	simm.s32 @!p1 $0x1082;
	[sflag:s4] =	ssyncset.s32 $0xFFFFF086  }
0x25: {  	[simem:s6], [sflag:s4] =	dma.local [hbm:s3], $0xF7A  }
0x26: {  	[smem:$0x3F9B] =	sst s1;
	(tag) =	ssettag s2;
	_ =	strace s9  }
0x27: {  	s1 =	sld [smem:$0x3FAB]  }
0x28: {  	s2 =	sld [smem:$0x3FAC]  }
0x29: {  	s4 =	sld [smem:$0x3FAE]  }
0x2a: {  	p0 =	seq.s32 s5, $0x0;
	s5 =	sld [smem:$0x3FAF]  }
0x2b: {  	s6 =	sld [smem:$0x3FB0]  }
0x2c: {  	s7 =	sld [smem:$0x3FB1]  }
0x2d: {  	s3 =	simm.s32 $0x108;
	s8 =	sld [smem:$0x3FB2]  }
0x2e: {  	s3 =	simm.s32 @!p0 $0x1082;
	s9 =	sld [smem:$0x3FB3]  }
0x2f: {  	lr =	sadd.s32 s0, s3;
	s0 =	sld [smem:$0x3FAA]  }
0x30: {  	s3 =	sld [smem:$0x3FAD]  }
0x31: {  	[smem:$0x3FB6] =	sst s10  }
0x32: {  	s10 =	sld [smem:$0x3FB4];
	_ =	sdelay $0x3  }
0x33: {  	p0 =	seq.s32 s10, $0x1;
	s10 =	sld [smem:$0x3FB6];
	_ =	sdelay $0x3  }
0x34: {  	[smem:$0x3FB6] =	sst s10  }
0x35: {  	s10 =	sld [smem:$0x3FB5];
	_ =	sdelay $0x3  }
0x36: {  	p1 =	seq.s32 s10, $0x1;
	s10 =	sld [smem:$0x3FB6];
	_ =	sdelay $0x3  }
0x37: {  	[smem:$0x3FB6] =	sst s10  }
0x38: {  	s10 =	sld [smem:$0x3FB7]  }
0x39: {  	_ = 	snop;
	(pc) =	sbr.ind lr, $3  }
0x3a: {  	_ = 	snop  }
0x3b: {  	_ = 	snop  }
0x3c: {  	p2 =	seq.s32 s10, $0x1;
	s10 =	sld [smem:$0x3FB6]  }
0x3d: {  	_ =	shalt  }
0x3e: {  	_ =	shalt  }
0x3f: {  	_ =	shalt  }
0x40: {  	_ =	shalt  }
0x41: {  	_ =	shalt  }
0x42: {  	_ =	shalt  }
0x43: {  	_ =	shalt  }
0x44: {  	_ =	shalt  }
0x45: {  	_ =	shalt  }
0x46: {  	_ =	shalt  }
0x47: {  	_ =	shalt  }
0x48: {  	_ =	shalt  }
0x49: {  	_ =	shalt  }
0x4a: {  	_ =	shalt  }
0x4b: {  	_ =	shalt  }
0x4c: {  	_ =	shalt  }
0x4d: {  	_ =	shalt  }
0x4e: {  	_ =	shalt  }
0x4f: {  	_ =	shalt  }
0x50: {  	_ =	shalt  }
0x51: {  	_ =	shalt  }
0x52: {  	_ =	shalt  }
0x53: {  	_ =	shalt  }
0x54: {  	_ =	shalt  }
0x55: {  	_ =	shalt  }
0x56: {  	_ =	shalt  }
0x57: {  	_ =	shalt  }
0x58: {  	_ =	shalt  }
0x59: {  	_ =	shalt  }
0x5a: {  	_ =	shalt  }
0x5b: {  	_ =	shalt  }
0x5c: {  	_ =	shalt  }
0x5d: {  	_ =	shalt  }
0x5e: {  	_ =	shalt  }
0x5f: {  	_ =	shalt  }
0x60: {  	_ =	shalt  }
0x61: {  	_ =	shalt  }
0x62: {  	_ =	shalt  }
0x63: {  	_ =	shalt  }
0x64: {  	_ =	shalt  }
0x65: {  	_ =	shalt  }
0x66: {  	_ =	shalt  }
0x67: {  	_ =	shalt  }
0x68: {  	_ =	shalt  }
0x69: {  	_ =	shalt  }
0x6a: {  	_ =	shalt  }
0x6b: {  	_ =	shalt  }
0x6c: {  	_ =	shalt  }
0x6d: {  	_ =	shalt  }
0x6e: {  	_ =	shalt  }
0x6f: {  	_ =	shalt  }
0x70: {  	_ =	shalt  }
0x71: {  	_ =	shalt  }
0x72: {  	_ =	shalt  }
0x73: {  	_ =	shalt  }
0x74: {  	_ =	shalt  }
0x75: {  	_ =	shalt  }
0x76: {  	_ =	shalt  }
0x77: {  	_ =	shalt  }
0x78: {  	_ =	shalt  }
0x79: {  	_ =	shalt  }
0x7a: {  	_ =	shalt  }
0x7b: {  	_ =	shalt  }
0x7c: {  	_ =	shalt  }
0x7d: {  	_ =	shalt  }
0x7e: {  	_ =	shalt  }
0x7f: {  	_ =	shalt  }
0x80: {  	_ =	shalt  }
0x81: {  	_ =	shalt  }
0x82: {  	_ =	shalt  }
0x83: {  	_ =	shalt  }
0x84: {  	_ =	shalt  }
0x85: {  	_ =	shalt  }
0x86: {  	_ =	shalt  }
0x87: {  	_ =	shalt  }
.Lfunc_end0:
.L_simem_size_0:
called_computation.2_lowered:
.L_overlay_start_0:
0x88: {  	s2 =	sld [smem:$0x3FD9]  }
0x89: {  	s3 =	sld [smem:$0x3FFE];
	_ =	sdelay $0x1  }
0x8a: {  	s1 =	srdreg.scid  }
0x8b: {  	s0 =	sand.u32 $0x1, s1  }
0x8c: {  	s17 =	sshll.u32 s0, $0xA;
	s2 =	sadd.s32 s3, s2  }
0x8d: {  	s2 =	sadd.s32 s2, s17  }
0x8e: {  	[smem:$0x3FC2] =	sst s2  }
0x8f: {  	_ = 	snop  }
0x90: {  	s2 =	sld [smem:$0x3FD0];
	(tm) =	ssettm $0x1  }
0x91: {  	s18 =	sld [smem:$0x3FFB];
	_ =	sdelay $0x3  }
0x92: {  	_ =	strace s18  }
0x93: {  	s3 =	sld [smem:$0x3FFC];
	_ =	sdelay $0x3  }
0x94: {  	_ =	strace s3  }
0x95: {  	s3 =	sld [smem:$0x3FFD];
	_ =	sdelay $0x3  }
0x96: {  	_ =	strace s3  }
0x97: {  	_ =	strace $0x8FFFFFFF  }
0x98: {  	s19 =	sld [smem:$0x3FDB];
	_ =	sdelay $0x1  }
0x99: {  	s4 =	simm.s32 $_scs_section_size  }
0x9a: {  	s5 =	simm.s32 $_size__tile_overlayer_lowered;
	s6 =	simm.s32 $_tile_overlayer_lowered  }
0x9b: {  	s22 =	simm.s32 $0x1BFF;
	s21 =	sshll.u32 s6, $0x1;
	s3 =	sadd.s32 s4, s19  }
0x9c: {  	s7 =	simm.s32 $0x0;
	s20 =	sshll.u32 s5, $0x1;
	s5 =	sadd.s32 s21, s3  }
0x9d: {  	[timem:s7], [sflag:s22] =	dma.local [hbm:s5], s20  }
0x9e: {  	_ =	swait.ge [sflag:s22], s20  }
0x9f: {  	s4 =	ssub.s32 $0x0, s20;
	[sflag:s22] =	ssyncset.done $0x0  }
0xa0: {  	[sflag:s22] =	ssyncadd.s32 s4;
	_ =	sdelay $0x1  }
0xa1: {  	s23 =	simm.s32 $0x1B8B  }
0xa2: {  	_ =	swait.ge [sflag:s23], $0x1  }
0xa3: {  	[sflag:s23] =	ssyncset.done $0x0  }
0xa4: {  	s25 =	simm.s32 $0x1B8E;
	s24 =	sld [smem:$0x3FFE];
	[sflag:s23] =	ssyncadd.s32 $0xFFFFFFFF  }
0xa5: {  	s26 =	simm.s32 $execute0_lowered;
	[smem:$0x3FD2] =	sst s25  }
0xa6: {  	s5 =	sshll.u32 s26, $0x1;
	_ =	strace $0x8000004C;
	[dreg:$0x1] =	wrdreg $0xFFFFFFFF  }
0xa7: {  	s28 =	simm.s32 $_size_execute0_lowered;
	s3 =	sadd.s32 s3, s5;
	[dreg:$0x0] =	wrdreg $0x0  }
0xa8: {  	s5 =	sshll.u32 s28, $0x1;
	[dreg:$0x2] =	wrdreg s3  }
0xa9: {  	[dreg:$0x3] =	wrdreg s5  }
0xaa: {  	[dreg:$0x4] =	wrdreg $0xC0  }
0xab: {  	_ =	task [dreg:s7], $0x5FFFF  }
0xac: {  	[dreg:$0x1] =	wrdreg $0xFFFFFFFF  }
0xad: {  	[dreg:$0x0] =	wrdreg $0x60  }
0xae: {  	[dreg:$0x2] =	wrdreg s2  }
0xaf: {  	[dreg:$0x3] =	wrdreg s24  }
0xb0: {  	[dreg:$0x4] =	wrdreg $0x41000  }
0xb1: {  	[dreg:$0x5] =	wrdreg $0x9  }
0xb2: {  	_ =	task.clear_ibuf [dreg:s7], $0x6FFFF;
	_ =	strace $0x9000004C  }
0xb3: {  	s29 =	simm.s32 $0x9;
	_ =	strace $0x8000004E  }
0xb4: {  	_ =	swait.ge [sflag:s29], $0x1  }
0xb5: {  	[sflag:s29] =	ssyncadd.s32 $0xFFFFFFFF  }
0xb6: {  	_ =	strace $0x9000004E  }
0xb7: {  	_ =	sfence  }
0xb8: {  	s30 =	sld [smem:$0x0];
	_ =	sdelay $0x2  }
0xb9: {  	s31 =	sshll.u32 s1, $0xD;
	s1 =	sshrl.u32 s1, $0x2  }
0xba: {  	s3 =	sand.u32 $0x4000, s31;
	s1 =	sadd.s32 s1, s30  }
0xbb: {  	s0 =	sor.u32 s3, s0;
	s1 =	sshll.u32 s1, $0x11  }
0xbc: {  	s0 =	sor.u32 s1, s0  }
0xbd: {  	s0 =	sadd.s32 $0x8F2B, s0  }
0xbe: {  	[sflag:s0] =	ssyncadd.remote.s32 $0x1  }
0xbf: {  	_ =	sfence.sel $0xFFFF  }
0xc0: {  	[dreg:$0x0] =	wrdreg $0xFFFFFFFF;
	(pc) =	sbr.abs _section_cstart, $3  }
0xc1: {  	[dreg:$0x1] =	wrdreg $0xFFFFFFFF  }
0xc2: {  	_ =	task.clear_ibuf [dreg:s7], $0x2FFFF;
	_ =	strace $0x9FFFFFFF  }
0xc3: {  	(tm) =	ssettm $0x7FFFFFFF  }
tec
execute0_lowered:
.L_overlay_start_1:
0x0: {  	(tag) =	ssettag $0x1  }
0x1: {  	s2 =	rddreg [dreg:$0x0]  }
0x2: {  	s7 =	rddreg [dreg:$0x1]  }
0x3: {  	s3 =	rddreg [dreg:$0x2]  }
0x4: {  	s0 =	rddreg [dreg:$0x3]  }
0x5: {  	s1 =	stileid.u32;
	s5 =	srdreg.scid  }
0x6: {  	s4 =	simm.s32 $0x0;
	s20 =	simm.s32 $0x0;
	s8 =	smul.u32 $0x280, s1  }
0x7: {  	s11 =	sand.u32 $0x1, s5;
	[smem:$0x7FF] =	sst s4;
	s15 =	smul.u32 $0x50000, s1  }
0x8: {  	s5 =	sadd.s32 $0x2E00, s7;
	s6 =	sadd.s32 $0xCE00, s7;
	s16 =	smul.u32 $0xA00, s1  }
0x9: {  	s18 =	sshll.u32 s1, $0x6;
	s9 =	smul.u32 $0x2800, s11;
	_ =	strace $0x8000004D  }
0xa: {  	s10 =	ssub.s32 $0x2, s11;
	s17 =	smul.u32 $0x500, s11;
	s18 =	sor.u32 $0x1C01, s18  }
0xb: {  	s31 =	sshrl.u32 s10, $0x1;
	s15 =	sshrl.u32 s15, $0x2;
	s9 =	sadd.s32 s8, s9  }
0xc: {  	s8 =	sshrl.u32 s8, $0x3;
	s14 =	ssub.s32 s10, s31;
	s19 =	sadd.s32 s15, s3  }
0xd: {  	s15 =	simm.s32 $0x1;
	s9 =	sshll.u32 s9, $0x4;
	s12 =	sadd.s32 s8, s7  }
0xe: {  	s19 =	sshrl.u32 s19, $0x3;
	s13 =	sadd.s32 s9, s7;
	s7 =	sadd.s32 $0x2800, s12  }
0xf: {  	s8 =	sadd.s32 $0x2810, s12;
	s9 =	sadd.s32 $0x2820, s12;
	s10 =	sadd.s32 $0x2830, s12  }
0x10: {  	s11 =	sadd.s32 $0x2840, s12;
	s12 =	sadd.s32 $0x16E00, s13;
	s13 =	smax.u32 s14, $0x1  }
0x11: {  	v0 =	vimm.f32 $0.0e+00;
	s14 =	sadd.s32 s17, s16;
	s16 =	simm.s32 $0x80;
	s17 =	simm.s32 $0x100  }
.LBB2_1:
0x12: {  	s21 =	simm.s32 $0x0;
	s22 =	simm.s32 $0x200  }
.LBB2_2:
0x13: {  	p0 =	sne.s32 s22, $0xFE00;
	[tilespmem:s21+$0x170] =	vst v0  }
0x14: {  	[tilespmem:s21+$0x100] =	vst v0  }
0x15: {  	[tilespmem:s21+$0x110] =	vst v0  }
.Ltmp0:
0x16: {  	[tilespmem:s21+$0x120] =	vst v0;
	(pc) =	sbr.rel @p0 .LBB2_2-.Ltmp0, $4  }
0x17: {  	[tilespmem:s21+$0x130] =	vst v0  }
0x18: {  	[tilespmem:s21+$0x140] =	vst v0  }
0x19: {  	[tilespmem:s21+$0x150] =	vst v0  }
0x1a: {  	[tilespmem:s21+$0x160] =	vst v0;
	s21 =	sshra.s32 s22, $0x2;
	s22 =	sadd.s32 $0x200, s22  }
0x1b: {  	[tilespmem:s21+$0x170] =	vst v0  }
0x1c: {  	[tilespmem:s21+$0x100] =	vst v0  }
0x1d: {  	[tilespmem:s21+$0x110] =	vst v0  }
0x1e: {  	[tilespmem:s21+$0x120] =	vst v0  }
0x1f: {  	[tilespmem:s21+$0x130] =	vst v0  }
0x20: {  	[tilespmem:s21+$0x140] =	vst v0  }
0x21: {  	[tilespmem:s21+$0x150] =	vst v0  }
0x22: {  	[tilespmem:s21+$0x160] =	vst v0;
	s29 =	simm.s32 $0x0  }
0x23: {  	[tilespmem:s29], [sflag:$0x1] =	stream.linear.gather [hbm4b:s7+s29], $0x80, $0x38;
	[tilespmem:$0x18100] =	vst v63  }
0x24: {  	_ =	swait.ge [sflag:s15], $0x80  }
0x25: {  	[sflag:s15] =	ssyncset.done $0x0  }
0x26: {  	[sflag:s15] =	ssyncadd.s32 $0xFFFFFF80  }
0x27: {  	[spmem:s3] =	stream.indirect.scatter [tilespmem:s17], [sflag:$0x1], $0x80, s29, s16, $0xb8;
	[tilespmem:$0x18100] =	vst v63  }
0x28: {  	_ =	swait.ge [sflag:s15], $0x4000  }
0x29: {  	[sflag:s15] =	ssyncset.done $0x0  }
0x2a: {  	[sflag:s15] =	ssyncadd.s32 $0xFFFFC000  }
0x2b: {  	[tilespmem:s29], [sflag:$0x1] =	stream.linear.gather [hbm4b:s8+s29], $0x80, $0x38;
	[tilespmem:$0x18100] =	vst v63  }
0x2c: {  	_ =	swait.ge [sflag:s15], $0x80  }
0x2d: {  	[sflag:s15] =	ssyncset.done $0x0  }
0x2e: {  	[sflag:s15] =	ssyncadd.s32 $0xFFFFFF80  }
0x2f: {  	[spmem:s3] =	stream.indirect.scatter [tilespmem:s17], [sflag:$0x1], $0x80, s29, s16, $0xb8;
	[tilespmem:$0x18100] =	vst v63  }
0x30: {  	_ =	swait.ge [sflag:s15], $0x4000  }
0x31: {  	[sflag:s15] =	ssyncset.done $0x0  }
0x32: {  	[sflag:s15] =	ssyncadd.s32 $0xFFFFC000  }
0x33: {  	[tilespmem:s29], [sflag:$0x1] =	stream.linear.gather [hbm4b:s9+s29], $0x80, $0x38;
	[tilespmem:$0x18100] =	vst v63  }
0x34: {  	_ =	swait.ge [sflag:s15], $0x80  }
0x35: {  	[sflag:s15] =	ssyncset.done $0x0  }
0x36: {  	[sflag:s15] =	ssyncadd.s32 $0xFFFFFF80  }
0x37: {  	[spmem:s3] =	stream.indirect.scatter [tilespmem:s17], [sflag:$0x1], $0x80, s29, s16, $0xb8;
	[tilespmem:$0x18100] =	vst v63  }
0x38: {  	_ =	swait.ge [sflag:s15], $0x4000  }
0x39: {  	[sflag:s15] =	ssyncset.done $0x0  }
0x3a: {  	[sflag:s15] =	ssyncadd.s32 $0xFFFFC000  }
0x3b: {  	[tilespmem:s29], [sflag:$0x1] =	stream.linear.gather [hbm4b:s10+s29], $0x80, $0x38;
	[tilespmem:$0x18100] =	vst v63  }
0x3c: {  	_ =	swait.ge [sflag:s15], $0x80  }
0x3d: {  	[sflag:s15] =	ssyncset.done $0x0  }
0x3e: {  	[sflag:s15] =	ssyncadd.s32 $0xFFFFFF80  }
0x3f: {  	[spmem:s3] =	stream.indirect.scatter [tilespmem:s17], [sflag:$0x1], $0x80, s29, s16, $0xb8;
	[tilespmem:$0x18100] =	vst v63  }
0x40: {  	_ =	swait.ge [sflag:s15], $0x4000  }
0x41: {  	[sflag:s15] =	ssyncset.done $0x0  }
0x42: {  	[sflag:s15] =	ssyncadd.s32 $0xFFFFC000  }
0x43: {  	[tilespmem:s29], [sflag:$0x1] =	stream.linear.gather [hbm4b:s11+s29], $0x80, $0x38;
	[tilespmem:$0x18100] =	vst v63  }
0x44: {  	_ =	swait.ge [sflag:s15], $0x80  }
0x45: {  	[sflag:s15] =	ssyncset.done $0x0  }
0x46: {  	[sflag:s15] =	ssyncadd.s32 $0xFFFFFF80  }
0x47: {  	[spmem:s3] =	stream.indirect.scatter [tilespmem:s17], [sflag:$0x1], $0x80, s29, s16, $0xb8;
	[tilespmem:$0x18100] =	vst v63  }
0x48: {  	s22 =	sadd.s32 $0x0, s14;
	_ =	swait.ge [sflag:s15], $0x4000  }
0x49: {  	s22 =	sand.u32 $0xFFFFF80, s22;
	s21 =	sand.u32 $0x70, s29;
	[sflag:s15] =	ssyncset.done $0x0  }
0x4a: {  	s21 =	sor.u32 s21, s22;
	[sflag:s15] =	ssyncadd.s32 $0xFFFFC000  }
0x4b: {  	s22 =	sadd.s32 s5, s21;
	[bflag:$0x0] =	sbarrier.arrive $0xFFFF  }
0x4c: {  	[tilespmem:s4], [sflag:$0x1] =	stream.linear.gather [hbm4b:s22+s4], $0x80, $0x38;
	[tilespmem:$0x18100] =	vst v63  }
0x4d: {  	_ =	swait.ge [sflag:s15], $0x80  }
0x4e: {  	[sflag:s15] =	ssyncset.done $0x0  }
0x4f: {  	s21 =	sadd.s32 s6, s21;
	[sflag:s15] =	ssyncadd.s32 $0xFFFFFF80  }
0x50: {  	[tilespmem:s16], [sflag:$0x1] =	stream.linear.gather [hbm4b:s21+s4], $0x80, $0x38;
	[tilespmem:$0x18100] =	vst v63  }
0x51: {  	_ =	swait.ge [sflag:s15], $0x80  }
0x52: {  	[sflag:s15] =	ssyncset.done $0x0  }
0x53: {  	[sflag:s15] =	ssyncadd.s32 $0xFFFFFF80  }
0x54: {  	[tilespmem:s17], [sflag:$0x1] =	stream.indirect.gather [hbm4b:s2+s16], $0x80, s4, s16, $0xb8;
	[tilespmem:$0x18100] =	vst v63  }
0x55: {  	_ =	swait.ge [sflag:s15], $0x4000  }
0x56: {  	[sflag:s15] =	ssyncset.done $0x0  }
0x57: {  	s30 =	simm.s32 $0x10;
	s31 =	sadd.s32 $0x10, s14;
	[sflag:s15] =	ssyncadd.s32 $0xFFFFC000  }
0x58: {  	[spmem:s3] =	stream.indirect.scatter.add.f32 [tilespmem:s17], [sflag:$0x1], $0x80, s16, s16, $0xb8;
	[tilespmem:$0x18100] =	vst v63  }
0x59: {  	s23 =	sand.u32 $0xFFFFF80, s31;
	s21 =	sand.u32 $0x70, s30;
	_ =	swait.ge [sflag:s15], $0x4000  }
0x5a: {  	s22 =	simm.s32 $0x20;
	s21 =	sor.u32 s21, s23;
	[sflag:s15] =	ssyncset.done $0x0  }
.LBB2_4:
0x5b: {  	s23 =	sadd.s32 s5, s21  }
0x5c: {  	[sflag:s15] =	ssyncadd.s32 $0xFFFFC000;
	s24 =	smov.u32 s22;
	s25 =	sadd.s32 $0x10, s22  }
0x5d: {  	[tilespmem:s4], [sflag:$0x1] =	stream.linear.gather [hbm4b:s23+s4], $0x80, $0x38;
	[tilespmem:$0x18100] =	vst v63  }
0x5e: {  	p0 =	sne.s32 s22, $0x4F0;
	_ =	swait.ge [sflag:s15], $0x80  }
0x5f: {  	[sflag:s15] =	ssyncset.done $0x0  }
0x60: {  	s21 =	sadd.s32 s6, s21;
	[sflag:s15] =	ssyncadd.s32 $0xFFFFFF80  }
0x61: {  	[tilespmem:s16], [sflag:$0x1] =	stream.linear.gather [hbm4b:s21+s4], $0x80, $0x38;
	[tilespmem:$0x18100] =	vst v63  }
0x62: {  	_ =	swait.ge [sflag:s15], $0x80  }
0x63: {  	[sflag:s15] =	ssyncset.done $0x0  }
0x64: {  	[sflag:s15] =	ssyncadd.s32 $0xFFFFFF80  }
0x65: {  	[tilespmem:s17], [sflag:$0x1] =	stream.indirect.gather [hbm4b:s2+s16], $0x80, s4, s16, $0xb8;
	[tilespmem:$0x18100] =	vst v63  }
0x66: {  	_ =	swait.ge [sflag:s15], $0x4000  }
.Ltmp1:
0x67: {  	[sflag:s15] =	ssyncset.done $0x0;
	(pc) =	sbr.rel @p0 .LBB2_4-.Ltmp1, $4  }
0x68: {  	s21 =	sadd.s32 s24, s14;
	[sflag:s15] =	ssyncadd.s32 $0xFFFFC000  }
0x69: {  	[spmem:s3] =	stream.indirect.scatter.add.f32 [tilespmem:s17], [sflag:$0x1], $0x80, s16, s16, $0xb8;
	[tilespmem:$0x18100] =	vst v63  }
0x6a: {  	s22 =	sand.u32 $0x70, s24;
	s21 =	sand.u32 $0xFFFFF80, s21;
	_ =	swait.ge [sflag:s15], $0x4000  }
0x6b: {  	s21 =	sor.u32 s22, s21;
	s22 =	smov.u32 s25;
	[sflag:s15] =	ssyncset.done $0x0  }
0x6c: {  	s22 =	sadd.s32 s5, s21;
	[sflag:s15] =	ssyncadd.s32 $0xFFFFC000  }
0x6d: {  	[tilespmem:s4], [sflag:$0x1] =	stream.linear.gather [hbm4b:s22+s4], $0x80, $0x38;
	[tilespmem:$0x18100] =	vst v63  }
0x6e: {  	_ =	swait.ge [sflag:s15], $0x80  }
0x6f: {  	[sflag:s15] =	ssyncset.done $0x0  }
0x70: {  	s31 =	sadd.s32 s6, s21;
	[sflag:s15] =	ssyncadd.s32 $0xFFFFFF80  }
0x71: {  	[tilespmem:s16], [sflag:$0x1] =	stream.linear.gather [hbm4b:s31+s4], $0x80, $0x38;
	[tilespmem:$0x18100] =	vst v63  }
0x72: {  	_ =	swait.ge [sflag:s15], $0x80  }
0x73: {  	[sflag:s15] =	ssyncset.done $0x0  }
0x74: {  	[sflag:s15] =	ssyncadd.s32 $0xFFFFFF80  }
0x75: {  	[tilespmem:s17], [sflag:$0x1] =	stream.indirect.gather [hbm4b:s2+s16], $0x80, s4, s16, $0xb8;
	[tilespmem:$0x18100] =	vst v63  }
0x76: {  	_ =	swait.ge [sflag:s15], $0x4000  }
0x77: {  	[sflag:s15] =	ssyncset.done $0x0  }
0x78: {  	[sflag:s15] =	ssyncadd.s32 $0xFFFFC000  }
0x79: {  	[spmem:s3] =	stream.indirect.scatter.add.f32 [tilespmem:s17], [sflag:$0x1], $0x80, s16, s16, $0xb8;
	[tilespmem:$0x18100] =	vst v63  }
0x7a: {  	_ =	swait.ge [sflag:s15], $0x4000  }
0x7b: {  	s20 =	sadd.s32 $0x1, s20;
	[sflag:s15] =	ssyncset.done $0x0  }
0x7c: {  	p0 =	sne.s32 s20, s13;
	[sflag:s15] =	ssyncadd.s32 $0xFFFFC000  }
.Ltmp2:
0x7d: {  	[bflag:$0x0] =	sbarrier.arrive $0xFFFF;
	(pc) =	sbr.rel @p0 .LBB2_1-.Ltmp2, $4  }
0x7e: {  	[hbm:s12], [sflag:s18] =	dma.local [spmem:s19], $0x2800  }
0x7f: {  	_ =	swait.ge [sflag:s15], $0x2800  }
0x80: {  	[sflag:s15] =	ssyncset.done $0x0  }
0x81: {  	[sflag:s15] =	ssyncadd.s32 $0xFFFFD800  }
0x82: {  	_ =	sfence.sel $0x180000  }
0x83: {  	[bflag:$0x0] =	sbarrier.arrive $0xFFFF  }
0x84: {  	p0 =	sne.s32 s1, $0x0;
	_ =	strace $0x9000004D  }
0x85: {  	s0 =	sadd.s32 @!p0 $0x100000, s0;
	[bflag:$0x2] =	sbarrier.arrive $0xFFFF  }
0x86: {  	[sflag:s0] =	ssyncadd.tile.s32 @!p0 $0x1;
	_ =	shalt  }
.Lfunc_end2:
_tile_overlayer_lowered:
.L_overlay_start_2:
0x87: {  	(tag) =	ssettag $0x2  }
0x88: {  	s0 =	rddreg [dreg:$0x0];
	s2 =	stileid.u32  }
0x89: {  	s1 =	rddreg [dreg:$0x1];
	p0 =	sne.s32 s2, $0x0  }
0x8a: {  	s3 =	rddreg [dreg:$0x2];
	[bflag:$0x3] =	sbarrier.arrive $0xFFFF;
	s2 =	simm.s32 @!p0 $0x1C01  }
0x8b: {  	[timem:s3], [sflag:s2] =	dma.local @!p0 [hbm:s0], s1  }
0x8c: {  	s0 =	simm.s32 @!p0 $0x1  }
0x8d: {  	_ =	swait.ge @!p0 [sflag:s0], s1  }
0x8e: {  	s1 =	ssub.s32 @!p0 $0x0, s1;
	[sflag:s0] =	ssyncset.done @!p0 $0x0  }
0x8f: {  	[sflag:s0] =	ssyncadd.s32 @!p0 s1  }
0x90: {  	[bflag:$0x3] =	sbarrier.arrive $0xFFFF  }
0x91: {  	_ =	shalt  }

// kernel: kernel.9.cloned.1.call-start
scs
__scs_entry_jumppad:
0x0: {  	(pc) =	sbr.rel $0x88, $3  }
0x1: {  	(tag) =	ssettag $0x0;
	lr =	simm.s32 $0x1  }
0x2: {  	[smem:$0x3F9B] =	sst lr;
	_ =	strace $0xD0000000  }
0x3: {  	_ = 	snop  }
0x4: {  	_ = 	snop  }
0x5: {  	_ = 	snop  }
0x6: {  	_ = 	snop  }
0x7: {  	_ = 	snop  }
__scs_overlays_trampoline_lowered:
0x8: {  	[smem:$0x3FAA] =	sst s0  }
0x9: {  	[smem:$0x3FAB] =	sst s1  }
0xa: {  	[smem:$0x3FAC] =	sst s2  }
0xb: {  	[smem:$0x3FAD] =	sst s3  }
0xc: {  	[smem:$0x3FAE] =	sst s4  }
0xd: {  	[smem:$0x3FAF] =	sst s5  }
0xe: {  	[smem:$0x3FB0] =	sst s6  }
0xf: {  	[smem:$0x3FB1] =	sst s7  }
0x10: {  	[smem:$0x3FB2] =	sst s8  }
0x11: {  	[smem:$0x3FB3] =	sst s9;
	s0 =	simm.s32 @!p0 $0x0  }
0x12: {  	s1 =	sld [smem:$0x3F99];
	s0 =	simm.s32 @p0 $0x1  }
0x13: {  	[smem:$0x3FB4] =	sst s0;
	s0 =	simm.s32 @!p1 $0x0  }
0x14: {  	s2 =	sld [smem:$0x3F98];
	s0 =	simm.s32 @p1 $0x1  }
0x15: {  	[smem:$0x3FB5] =	sst s0;
	s0 =	simm.s32 @!p2 $0x0  }
0x16: {  	s3 =	sld [smem:$0x3FDB];
	s0 =	simm.s32 @p2 $0x1  }
0x17: {  	s4 =	simm.s32 $0x1BF5;
	[smem:$0x3FB7] =	sst s0  }
0x18: {  	s0 =	sld [smem:$0x3F9A];
	_ =	swait.ge [sflag:s4], $0x0  }
0x19: {  	s7 =	sld [smem:$0x3F9B]  }
0x1a: {  	s8 =	sadd.s32 $0xFFFFE003, lr  }
0x1b: {  	s9 =	sadd.s32 $0xFFFFFEF7, lr;
	s5 =	simm.s32 $0xFFFFFFFF;
	p2 =	slt.u32 s8, $0xFFFFF086  }
0x1c: {  	p1 =	slt.u32 s9, $0xF7A;
	s5 =	simm.s32 @!p2 $0x0  }
0x1d: {  	s5 =	simm.s32 @p1 $0x1;
	p0 =	seq.s32 s7, s2  }
0x1e: {  	s7 =	smul.u32 @!p0 $0xF7A, s2;
	p2 =	seq.s32 @!p0 s5, $0x0  }
0x1f: {  	s9 =	smul.u32 $0xF7A, s1;
	s8 =	simm.s32 @!p0 $0x1BF5;
	p2 =	por !p2, p0  }
0x20: {  	[sflag:s8] =	ssyncset.s32 @!p0 $0xFFFFF086;
	s6 =	sadd.s32 @!p0 s3, s7;
	s7 =	simm.s32 @!p0 $0x108  }
0x21: {  	s3 =	sadd.s32 s3, s9;
	s6 =	sadd.s32 @!p0 $0x88, s6;
	s7 =	simm.s32 @p2 $0x1082  }
0x22: {  	[simem:s7], [sflag:s8] =	dma.local @!p0 [hbm:s6], $0xF7A  }
0x23: {  	s9 =	sor.u32 $0xD0000000, s2;
	s6 =	simm.s32 $0x108;
	_ =	swait.ge @!p0 [sflag:s8], $0x0  }
0x24: {  	s3 =	sadd.s32 $0x88, s3;
	s6 =	simm.s32 @!p1 $0x1082;
	[sflag:s4] =	ssyncset.s32 $0xFFFFF086  }
0x25: {  	[simem:s6], [sflag:s4] =	dma.local [hbm:s3], $0xF7A  }
0x26: {  	[smem:$0x3F9B] =	sst s1;
	(tag) =	ssettag s2;
	_ =	strace s9  }
0x27: {  	s1 =	sld [smem:$0x3FAB]  }
0x28: {  	s2 =	sld [smem:$0x3FAC]  }
0x29: {  	s4 =	sld [smem:$0x3FAE]  }
0x2a: {  	p0 =	seq.s32 s5, $0x0;
	s5 =	sld [smem:$0x3FAF]  }
0x2b: {  	s6 =	sld [smem:$0x3FB0]  }
0x2c: {  	s7 =	sld [smem:$0x3FB1]  }
0x2d: {  	s3 =	simm.s32 $0x108;
	s8 =	sld [smem:$0x3FB2]  }
0x2e: {  	s3 =	simm.s32 @!p0 $0x1082;
	s9 =	sld [smem:$0x3FB3]  }
0x2f: {  	lr =	sadd.s32 s0, s3;
	s0 =	sld [smem:$0x3FAA]  }
0x30: {  	s3 =	sld [smem:$0x3FAD]  }
0x31: {  	[smem:$0x3FB6] =	sst s10  }
0x32: {  	s10 =	sld [smem:$0x3FB4];
	_ =	sdelay $0x3  }
0x33: {  	p0 =	seq.s32 s10, $0x1;
	s10 =	sld [smem:$0x3FB6];
	_ =	sdelay $0x3  }
0x34: {  	[smem:$0x3FB6] =	sst s10  }
0x35: {  	s10 =	sld [smem:$0x3FB5];
	_ =	sdelay $0x3  }
0x36: {  	p1 =	seq.s32 s10, $0x1;
	s10 =	sld [smem:$0x3FB6];
	_ =	sdelay $0x3  }
0x37: {  	[smem:$0x3FB6] =	sst s10  }
0x38: {  	s10 =	sld [smem:$0x3FB7]  }
0x39: {  	_ = 	snop;
	(pc) =	sbr.ind lr, $3  }
0x3a: {  	_ = 	snop  }
0x3b: {  	_ = 	snop  }
0x3c: {  	p2 =	seq.s32 s10, $0x1;
	s10 =	sld [smem:$0x3FB6]  }
0x3d: {  	_ =	shalt  }
0x3e: {  	_ =	shalt  }
0x3f: {  	_ =	shalt  }
0x40: {  	_ =	shalt  }
0x41: {  	_ =	shalt  }
0x42: {  	_ =	shalt  }
0x43: {  	_ =	shalt  }
0x44: {  	_ =	shalt  }
0x45: {  	_ =	shalt  }
0x46: {  	_ =	shalt  }
0x47: {  	_ =	shalt  }
0x48: {  	_ =	shalt  }
0x49: {  	_ =	shalt  }
0x4a: {  	_ =	shalt  }
0x4b: {  	_ =	shalt  }
0x4c: {  	_ =	shalt  }
0x4d: {  	_ =	shalt  }
0x4e: {  	_ =	shalt  }
0x4f: {  	_ =	shalt  }
0x50: {  	_ =	shalt  }
0x51: {  	_ =	shalt  }
0x52: {  	_ =	shalt  }
0x53: {  	_ =	shalt  }
0x54: {  	_ =	shalt  }
0x55: {  	_ =	shalt  }
0x56: {  	_ =	shalt  }
0x57: {  	_ =	shalt  }
0x58: {  	_ =	shalt  }
0x59: {  	_ =	shalt  }
0x5a: {  	_ =	shalt  }
0x5b: {  	_ =	shalt  }
0x5c: {  	_ =	shalt  }
0x5d: {  	_ =	shalt  }
0x5e: {  	_ =	shalt  }
0x5f: {  	_ =	shalt  }
0x60: {  	_ =	shalt  }
0x61: {  	_ =	shalt  }
0x62: {  	_ =	shalt  }
0x63: {  	_ =	shalt  }
0x64: {  	_ =	shalt  }
0x65: {  	_ =	shalt  }
0x66: {  	_ =	shalt  }
0x67: {  	_ =	shalt  }
0x68: {  	_ =	shalt  }
0x69: {  	_ =	shalt  }
0x6a: {  	_ =	shalt  }
0x6b: {  	_ =	shalt  }
0x6c: {  	_ =	shalt  }
0x6d: {  	_ =	shalt  }
0x6e: {  	_ =	shalt  }
0x6f: {  	_ =	shalt  }
0x70: {  	_ =	shalt  }
0x71: {  	_ =	shalt  }
0x72: {  	_ =	shalt  }
0x73: {  	_ =	shalt  }
0x74: {  	_ =	shalt  }
0x75: {  	_ =	shalt  }
0x76: {  	_ =	shalt  }
0x77: {  	_ =	shalt  }
0x78: {  	_ =	shalt  }
0x79: {  	_ =	shalt  }
0x7a: {  	_ =	shalt  }
0x7b: {  	_ =	shalt  }
0x7c: {  	_ =	shalt  }
0x7d: {  	_ =	shalt  }
0x7e: {  	_ =	shalt  }
0x7f: {  	_ =	shalt  }
0x80: {  	_ =	shalt  }
0x81: {  	_ =	shalt  }
0x82: {  	_ =	shalt  }
0x83: {  	_ =	shalt  }
0x84: {  	_ =	shalt  }
0x85: {  	_ =	shalt  }
0x86: {  	_ =	shalt  }
0x87: {  	_ =	shalt  }
.Lfunc_end0:
.L_simem_size_0:
called_computation_lowered:
.L_overlay_start_0:
0x88: {  	s2 =	sld [smem:$0x3FD9]  }
0x89: {  	s3 =	sld [smem:$0x3FFE];
	_ =	sdelay $0x1  }
0x8a: {  	s1 =	srdreg.scid  }
0x8b: {  	s0 =	sand.u32 $0x1, s1  }
0x8c: {  	s16 =	sshll.u32 s0, $0xA;
	s2 =	sadd.s32 s3, s2  }
0x8d: {  	s2 =	sadd.s32 s2, s16  }
0x8e: {  	[smem:$0x3FC2] =	sst s2  }
0x8f: {  	_ = 	snop  }
0x90: {  	(tm) =	ssettm $0x1  }
0x91: {  	s17 =	sld [smem:$0x3FFB];
	_ =	sdelay $0x3  }
0x92: {  	_ =	strace s17  }
0x93: {  	s2 =	sld [smem:$0x3FFC];
	_ =	sdelay $0x3  }
0x94: {  	_ =	strace s2  }
0x95: {  	s2 =	sld [smem:$0x3FFD];
	_ =	sdelay $0x3  }
0x96: {  	_ =	strace s2  }
0x97: {  	_ =	strace $0x8FFFFFFF  }
0x98: {  	s18 =	sld [smem:$0x3FDB];
	_ =	sdelay $0x1  }
0x99: {  	s19 =	simm.s32 $_scs_section_size  }
0x9a: {  	s4 =	simm.s32 $_size__tile_overlayer_lowered;
	s5 =	simm.s32 $_tile_overlayer_lowered  }
0x9b: {  	s22 =	simm.s32 $0x1BFF;
	s21 =	sshll.u32 s5, $0x1;
	s2 =	sadd.s32 s19, s18  }
0x9c: {  	s6 =	simm.s32 $0x0;
	s20 =	sshll.u32 s4, $0x1;
	s4 =	sadd.s32 s21, s2  }
0x9d: {  	[timem:s6], [sflag:s22] =	dma.local [hbm:s4], s20  }
0x9e: {  	_ =	swait.ge [sflag:s22], s20  }
0x9f: {  	s3 =	ssub.s32 $0x0, s20;
	[sflag:s22] =	ssyncset.done $0x0  }
0xa0: {  	[sflag:s22] =	ssyncadd.s32 s3;
	_ =	sdelay $0x1  }
0xa1: {  	s23 =	simm.s32 $0x1B8B  }
0xa2: {  	_ =	swait.ge [sflag:s23], $0x1  }
0xa3: {  	[sflag:s23] =	ssyncset.done $0x0  }
0xa4: {  	s25 =	simm.s32 $0x1B8E;
	s24 =	sld [smem:$0x3FFE];
	[sflag:s23] =	ssyncadd.s32 $0xFFFFFFFF  }
0xa5: {  	s26 =	simm.s32 $execute0_lowered;
	[smem:$0x3FD2] =	sst s25  }
0xa6: {  	s4 =	sshll.u32 s26, $0x1;
	_ =	strace $0x80000046;
	[dreg:$0x1] =	wrdreg $0xFFFFFFFF  }
0xa7: {  	s28 =	simm.s32 $_size_execute0_lowered;
	s2 =	sadd.s32 s2, s4;
	[dreg:$0x0] =	wrdreg $0x0  }
0xa8: {  	s4 =	sshll.u32 s28, $0x1;
	[dreg:$0x2] =	wrdreg s2  }
0xa9: {  	[dreg:$0x3] =	wrdreg s4  }
0xaa: {  	[dreg:$0x4] =	wrdreg $0xC0  }
0xab: {  	_ =	task [dreg:s6], $0x5FFFF  }
0xac: {  	[dreg:$0x1] =	wrdreg $0xFFFFFFFF  }
0xad: {  	[dreg:$0x0] =	wrdreg $0x60  }
0xae: {  	[dreg:$0x2] =	wrdreg s24  }
0xaf: {  	[dreg:$0x3] =	wrdreg $0x80800  }
0xb0: {  	[dreg:$0x4] =	wrdreg $0x9  }
0xb1: {  	_ =	task.clear_ibuf [dreg:s6], $0x5FFFF;
	_ =	strace $0x90000046  }
0xb2: {  	s29 =	simm.s32 $0x9;
	_ =	strace $0x80000048  }
0xb3: {  	_ =	swait.ge [sflag:s29], $0x1  }
0xb4: {  	[sflag:s29] =	ssyncadd.s32 $0xFFFFFFFF  }
0xb5: {  	_ =	strace $0x90000048  }
0xb6: {  	_ =	sfence  }
0xb7: {  	s30 =	sld [smem:$0x0];
	_ =	sdelay $0x2  }
0xb8: {  	s31 =	sshll.u32 s1, $0xD;
	s1 =	sshrl.u32 s1, $0x2  }
0xb9: {  	s3 =	sand.u32 $0x4000, s31;
	s1 =	sadd.s32 s1, s30  }
0xba: {  	s0 =	sor.u32 s3, s0;
	s1 =	sshll.u32 s1, $0x11  }
0xbb: {  	s0 =	sor.u32 s1, s0  }
0xbc: {  	s0 =	sadd.s32 $0x8F2B, s0  }
0xbd: {  	[sflag:s0] =	ssyncadd.remote.s32 $0x1  }
0xbe: {  	_ =	sfence.sel $0xFFFF  }
0xbf: {  	[dreg:$0x0] =	wrdreg $0xFFFFFFFF;
	(pc) =	sbr.abs _section_cstart, $3  }
0xc0: {  	[dreg:$0x1] =	wrdreg $0xFFFFFFFF  }
0xc1: {  	_ =	task.clear_ibuf [dreg:s6], $0x2FFFF;
	_ =	strace $0x9FFFFFFF  }
0xc2: {  	(tm) =	ssettm $0x7FFFFFFF  }
0xc3: {  	_ =	shalt  }
tec
execute0_lowered:
.L_overlay_start_1:
0x0: {  	(tag) =	ssettag $0x1  }
0x1: {  	s5 =	rddreg [dreg:$0x0];
	s0 =	stileid.u32  }
0x2: {  	s1 =	srdreg.scid;
	s2 =	rddreg [dreg:$0x1]  }
0x3: {  	s3 =	simm.s32 $0x0;
	s18 =	simm.s32 $0x0;
	s6 =	smul.u32 $0x280, s0  }
0x4: {  	s9 =	sand.u32 $0x1, s1;
	s1 =	rddreg [dreg:$0x2];
	s13 =	smul.u32 $0x50000, s0  }
0x5: {  	[smem:$0x7FF] =	sst s3;
	s4 =	sadd.s32 $0xCE00, s5;
	s14 =	smul.u32 $0xA00, s0  }
0x6: {  	s16 =	sshll.u32 s0, $0x6;
	s7 =	smul.u32 $0x2800, s9;
	_ =	strace $0x80000047  }
0x7: {  	s8 =	ssub.s32 $0x2, s9;
	s15 =	smul.u32 $0x500, s9;
	s16 =	sor.u32 $0x1C01, s16  }
0x8: {  	s31 =	sshrl.u32 s8, $0x1;
	s13 =	sshrl.u32 s13, $0x2;
	s7 =	sadd.s32 s6, s7  }
0x9: {  	s6 =	sshrl.u32 s6, $0x3;
	s12 =	ssub.s32 s8, s31;
	s17 =	sadd.s32 s13, s2  }
0xa: {  	s13 =	simm.s32 $0x1;
	s7 =	sshll.u32 s7, $0x4;
	s10 =	sadd.s32 s6, s5  }
0xb: {  	s17 =	sshrl.u32 s17, $0x3;
	s11 =	sadd.s32 s7, s5;
	s5 =	sadd.s32 $0x2800, s10  }
0xc: {  	s6 =	sadd.s32 $0x2810, s10;
	s7 =	sadd.s32 $0x2820, s10;
	s8 =	sadd.s32 $0x2830, s10  }
0xd: {  	s9 =	sadd.s32 $0x2840, s10;
	s10 =	sadd.s32 $0x16E00, s11;
	s11 =	smax.u32 s12, $0x1  }
0xe: {  	v0 =	vimm.f32 $0.0e+00;
	v1 =	vimm.f32 $1.000000000e+00;
	s12 =	sadd.s32 s15, s14;
	s14 =	simm.s32 $0x80;
	s15 =	simm.s32 $0x4080  }
.LBB2_1:
0xf: {  	s19 =	simm.s32 $0x200;
	s20 =	simm.s32 $0x0  }
.LBB2_2:
0x10: {  	p0 =	sne.s32 s19, $0xFE00;
	[tilespmem:s20+$0x4080] =	vst v0;
	s21 =	smov.u32 s19;
	s19 =	sadd.s32 $0x200, s19  }
.Ltmp0:
0x11: {  	[tilespmem:s20+$0x80] =	vst v1;
	(pc) =	sbr.rel @p0 .LBB2_2-.Ltmp0, $2  }
0x12: {  	_ =	sdelay $0x2  }
0x13: {  	s20 =	sshra.s32 s21, $0x2  }
0x14: {  	[tilespmem:s20+$0x4080] =	vst v0  }
0x15: {  	[tilespmem:s20+$0x80] =	vst v1;
	s19 =	simm.s32 $0x0  }
0x16: {  	[tilespmem:s19], [sflag:$0x1] =	stream.linear.gather [hbm4b:s5+s19], $0x80, $0x38;
	[tilespmem:$0xA880] =	vst v63  }
0x17: {  	_ =	swait.ge [sflag:s13], $0x80  }
0x18: {  	[sflag:s13] =	ssyncset.done $0x0  }
0x19: {  	[sflag:s13] =	ssyncadd.s32 $0xFFFFFF80  }
0x1a: {  	[spmem:s2] =	stream.indirect.scatter [tilespmem:s15], [sflag:$0x1], $0x10, s19, s14, $0xb8;
	[tilespmem:$0xA880] =	vst v63  }
0x1b: {  	_ =	swait.ge [sflag:s13], $0x800  }
0x1c: {  	[sflag:s13] =	ssyncset.done $0x0  }
0x1d: {  	[sflag:s13] =	ssyncadd.s32 $0xFFFFF800  }
0x1e: {  	[tilespmem:s19], [sflag:$0x1] =	stream.linear.gather [hbm4b:s6+s19], $0x80, $0x38;
	[tilespmem:$0xA880] =	vst v63  }
0x1f: {  	_ =	swait.ge [sflag:s13], $0x80  }
0x20: {  	[sflag:s13] =	ssyncset.done $0x0  }
0x21: {  	[sflag:s13] =	ssyncadd.s32 $0xFFFFFF80  }
0x22: {  	[spmem:s2] =	stream.indirect.scatter [tilespmem:s15], [sflag:$0x1], $0x10, s19, s14, $0xb8;
	[tilespmem:$0xA880] =	vst v63  }
0x23: {  	_ =	swait.ge [sflag:s13], $0x800  }
0x24: {  	[sflag:s13] =	ssyncset.done $0x0  }
0x25: {  	[sflag:s13] =	ssyncadd.s32 $0xFFFFF800  }
0x26: {  	[tilespmem:s19], [sflag:$0x1] =	stream.linear.gather [hbm4b:s7+s19], $0x80, $0x38;
	[tilespmem:$0xA880] =	vst v63  }
0x27: {  	_ =	swait.ge [sflag:s13], $0x80  }
0x28: {  	[sflag:s13] =	ssyncset.done $0x0  }
0x29: {  	[sflag:s13] =	ssyncadd.s32 $0xFFFFFF80  }
0x2a: {  	[spmem:s2] =	stream.indirect.scatter [tilespmem:s15], [sflag:$0x1], $0x10, s19, s14, $0xb8;
	[tilespmem:$0xA880] =	vst v63  }
0x2b: {  	_ =	swait.ge [sflag:s13], $0x800  }
0x2c: {  	[sflag:s13] =	ssyncset.done $0x0  }
0x2d: {  	[sflag:s13] =	ssyncadd.s32 $0xFFFFF800  }
0x2e: {  	[tilespmem:s19], [sflag:$0x1] =	stream.linear.gather [hbm4b:s8+s19], $0x80, $0x38;
	[tilespmem:$0xA880] =	vst v63  }
0x2f: {  	_ =	swait.ge [sflag:s13], $0x80  }
0x30: {  	[sflag:s13] =	ssyncset.done $0x0  }
0x31: {  	[sflag:s13] =	ssyncadd.s32 $0xFFFFFF80  }
0x32: {  	[spmem:s2] =	stream.indirect.scatter [tilespmem:s15], [sflag:$0x1], $0x10, s19, s14, $0xb8;
	[tilespmem:$0xA880] =	vst v63  }
0x33: {  	_ =	swait.ge [sflag:s13], $0x800  }
0x34: {  	[sflag:s13] =	ssyncset.done $0x0  }
0x35: {  	[sflag:s13] =	ssyncadd.s32 $0xFFFFF800  }
0x36: {  	[tilespmem:s19], [sflag:$0x1] =	stream.linear.gather [hbm4b:s9+s19], $0x80, $0x38;
	[tilespmem:$0xA880] =	vst v63  }
0x37: {  	_ =	swait.ge [sflag:s13], $0x80  }
0x38: {  	[sflag:s13] =	ssyncset.done $0x0  }
0x39: {  	[sflag:s13] =	ssyncadd.s32 $0xFFFFFF80  }
0x3a: {  	[spmem:s2] =	stream.indirect.scatter [tilespmem:s15], [sflag:$0x1], $0x10, s19, s14, $0xb8;
	[tilespmem:$0xA880] =	vst v63  }
0x3b: {  	_ =	swait.ge [sflag:s13], $0x800  }
0x3c: {  	s30 =	sadd.s32 $0x0, s12;
	s19 =	sand.u32 $0x70, s19;
	[sflag:s13] =	ssyncset.done $0x0  }
0x3d: {  	s20 =	sand.u32 $0xFFFFF80, s30;
	s19 =	sadd.s32 s4, s19;
	[sflag:s13] =	ssyncadd.s32 $0xFFFFF800  }
0x3e: {  	s19 =	sadd.s32 s20, s19;
	[bflag:$0x0] =	sbarrier.arrive $0xFFFF  }
0x3f: {  	[tilespmem:s3], [sflag:$0x1] =	stream.linear.gather [hbm4b:s19+s3], $0x80, $0x38;
	[tilespmem:$0xA880] =	vst v63  }
0x40: {  	_ =	swait.ge [sflag:s13], $0x80  }
0x41: {  	[sflag:s13] =	ssyncset.done $0x0  }
0x42: {  	s31 =	simm.s32 $0x10;
	s21 =	sadd.s32 $0x10, s12;
	[sflag:s13] =	ssyncadd.s32 $0xFFFFFF80  }
0x43: {  	[spmem:s2] =	stream.indirect.scatter.add.f32 [tilespmem:s14], [sflag:$0x1], $0x10, s3, s14, $0xb8;
	[tilespmem:$0xA880] =	vst v63  }
0x44: {  	s22 =	sand.u32 $0x70, s31;
	s20 =	sand.u32 $0xFFFFF80, s21;
	_ =	swait.ge [sflag:s13], $0x800  }
0x45: {  	s21 =	sadd.s32 s4, s22;
	s19 =	simm.s32 $0x20;
	[sflag:s13] =	ssyncset.done $0x0  }
.LBB2_4:
0x46: {  	s20 =	sadd.s32 s20, s21  }
0x47: {  	[sflag:s13] =	ssyncadd.s32 $0xFFFFF800;
	s21 =	smov.u32 s19;
	s22 =	sadd.s32 $0x10, s19  }
0x48: {  	[tilespmem:s3], [sflag:$0x1] =	stream.linear.gather [hbm4b:s20+s3], $0x80, $0x38;
	[tilespmem:$0xA880] =	vst v63  }
0x49: {  	p0 =	sne.s32 s19, $0x4F0;
	_ =	swait.ge [sflag:s13], $0x80  }
.Ltmp1:
0x4a: {  	[sflag:s13] =	ssyncset.done $0x0;
	(pc) =	sbr.rel @p0 .LBB2_4-.Ltmp1, $4  }
0x4b: {  	s19 =	sadd.s32 s21, s12;
	[sflag:s13] =	ssyncadd.s32 $0xFFFFFF80  }
0x4c: {  	[spmem:s2] =	stream.indirect.scatter.add.f32 [tilespmem:s14], [sflag:$0x1], $0x10, s3, s14, $0xb8;
	[tilespmem:$0xA880] =	vst v63  }
0x4d: {  	s21 =	sand.u32 $0x70, s21;
	s20 =	sand.u32 $0xFFFFF80, s19;
	_ =	swait.ge [sflag:s13], $0x800  }
0x4e: {  	s21 =	sadd.s32 s4, s21;
	s19 =	smov.u32 s22;
	[sflag:s13] =	ssyncset.done $0x0  }
0x4f: {  	s19 =	sadd.s32 s20, s21;
	[sflag:s13] =	ssyncadd.s32 $0xFFFFF800  }
0x50: {  	[tilespmem:s3], [sflag:$0x1] =	stream.linear.gather [hbm4b:s19+s3], $0x80, $0x38;
	[tilespmem:$0xA880] =	vst v63  }
0x51: {  	_ =	swait.ge [sflag:s13], $0x80  }
0x52: {  	[sflag:s13] =	ssyncset.done $0x0  }
0x53: {  	[sflag:s13] =	ssyncadd.s32 $0xFFFFFF80  }
0x54: {  	[spmem:s2] =	stream.indirect.scatter.add.f32 [tilespmem:s14], [sflag:$0x1], $0x10, s3, s14, $0xb8;
	[tilespmem:$0xA880] =	vst v63  }
0x55: {  	_ =	swait.ge [sflag:s13], $0x800  }
0x56: {  	s18 =	sadd.s32 $0x1, s18;
	[sflag:s13] =	ssyncset.done $0x0  }
0x57: {  	p0 =	sne.s32 s18, s11;
	[sflag:s13] =	ssyncadd.s32 $0xFFFFF800  }
.Ltmp2:
0x58: {  	[bflag:$0x0] =	sbarrier.arrive $0xFFFF;
	(pc) =	sbr.rel @p0 .LBB2_1-.Ltmp2, $4  }
0x59: {  	[hbm:s10], [sflag:s16] =	dma.local [spmem:s17], $0x2800  }
0x5a: {  	_ =	swait.ge [sflag:s13], $0x2800  }
0x5b: {  	[sflag:s13] =	ssyncset.done $0x0  }
0x5c: {  	[sflag:s13] =	ssyncadd.s32 $0xFFFFD800  }
0x5d: {  	_ =	sfence.sel $0x180000  }
0x5e: {  	[bflag:$0x0] =	sbarrier.arrive $0xFFFF  }
0x5f: {  	p0 =	sne.s32 s0, $0x0;
	_ =	strace $0x90000047  }
0x60: {  	s0 =	sadd.s32 @!p0 $0x100000, s1;
	[bflag:$0x2] =	sbarrier.arrive $0xFFFF  }
0x61: {  	[sflag:s0] =	ssyncadd.tile.s32 @!p0 $0x1;
	_ =	shalt  }
.Lfunc_end2:
_tile_overlayer_lowered:
.L_overlay_start_2:
0x62: {  	(tag) =	ssettag $0x2  }
0x63: {  	s0 =	rddreg [dreg:$0x0];
	s2 =	stileid.u32  }
0x64: {  	s1 =	rddreg [dreg:$0x1];
	p0 =	sne.s32 s2, $0x0  }
0x65: {  	s3 =	rddreg [dreg:$0x2];
	[bflag:$0x3] =	sbarrier.arrive $0xFFFF;
	s2 =	simm.s32 @!p0 $0x1C01  }
0x66: {  	[timem:s3], [sflag:s2] =	dma.local @!p0 [hbm:s0], s1  }
0x67: {  	s0 =	simm.s32 @!p0 $0x1  }
0x68: {  	_ =	swait.ge @!p0 [sflag:s0], s1  }
0x69: {  	s1 =	ssub.s32 @!p0 $0x0, s1;
	[sflag:s0] =	ssyncset.done @!p0 $0x0  }
0x6a: {  	[sflag:s0] =	ssyncadd.s32 @!p0 s1  }
0x6b: {  	[bflag:$0x3] =	sbarrier.arrive $0xFFFF  }
0x6c: {  	_ =	shalt  }

</sc_bundles>
